<compile_context>
chip_gen: v7x
topology: tpu7x:2x2x1
jax: 0.10.2.dev20260603
libtpu: 0.0.44.dev20260713+nightly
codegen_flags: <defaults>
</compile_context>

<pallas_src>
import functools

import jax
import jax.numpy as jnp
from jax import lax
from jax.experimental import pallas as pl
from jax.experimental.pallas import tpu as pltpu
from jax.experimental.pallas import tpu_sc as plsc

N = 10000
D = 128
NC = 2
NS = 16
DH = D // NC
CH = 128
KT = 160
EPT = KT * CH
EPAD = NS * EPT
NACC = 10240
RPT = NACC // NS
NBUF = 5


def _sc_body(feat_hbm, src_hbm, dst_hbm, z2_hbm, z1_hbm,
             acc0_out, acc1_out, deg0_out, deg1_out,
             src_v, dst_v, rows_v, ones_v, sem0, sem1, sem2, sem3,
             sem4, dsem, acc_sh, deg_sh):
    cid = lax.axis_index("c")
    sid = lax.axis_index("s")
    w2 = cid * NS + sid
    r0 = sid * RPT
    sems = (sem0, sem1, sem2, sem3, sem4)

    pltpu.sync_copy(src_hbm.at[w2], src_v)
    pltpu.sync_copy(dst_hbm.at[sid], dst_v)
    pltpu.sync_copy(z2_hbm.at[pl.ds(r0, RPT)], acc_sh.at[pl.ds(r0, RPT)])
    pltpu.sync_copy(z1_hbm.at[pl.ds(r0, RPT)], deg_sh.at[pl.ds(r0, RPT)])
    ones16 = jnp.full((16,), 1.0, dtype=jnp.float32)
    for g in range(CH // 16):
        ones_v[pl.ds(g * 16, 16)] = ones16
    plsc.subcore_barrier()

    for b in range(NBUF):
        pltpu.async_copy(feat_hbm.at[src_v.at[b]], rows_v.at[b], sems[b])

    def outer(i, carry):
        for b in range(NBUF):
            j = i * NBUF + b
            buf = rows_v.at[b]
            pltpu.make_async_copy(feat_hbm.at[pl.ds(0, CH)], buf,
                                  sems[b]).wait()

            @pl.when(cid == ((i * NBUF + b) % 2))
            def _():
                pltpu.async_copy(ones_v, deg_sh.at[dst_v.at[j]], dsem,
                                 add=True)

            pltpu.sync_copy(buf, acc_sh.at[dst_v.at[j]], add=True)

            @pl.when(j + NBUF < KT)
            def _():
                pltpu.async_copy(feat_hbm.at[src_v.at[j + NBUF]], buf,
                                 sems[b])
        return carry

    lax.fori_loop(0, KT // NBUF, outer, 0)

    pltpu.make_async_copy(src_hbm.at[0, pl.ds(0, KT // 2)],
                          src_v.at[pl.ds(0, KT // 2)], dsem).wait()

    plsc.subcore_barrier()

    @pl.when(cid == 0)
    def _():
        pltpu.sync_copy(acc_sh.at[pl.ds(r0, RPT)],
                        acc0_out.at[pl.ds(r0, RPT)])
        pltpu.sync_copy(deg_sh.at[pl.ds(r0, RPT)],
                        deg0_out.at[pl.ds(r0, RPT)])

    @pl.when(cid == 1)
    def _():
        pltpu.sync_copy(acc_sh.at[pl.ds(r0, RPT)],
                        acc1_out.at[pl.ds(r0, RPT)])
        pltpu.sync_copy(deg_sh.at[pl.ds(r0, RPT)],
                        deg1_out.at[pl.ds(r0, RPT)])


_sc_aggregate = functools.partial(
    pl.kernel,
    out_type=(
        jax.ShapeDtypeStruct((NACC, DH), jnp.float32),
        jax.ShapeDtypeStruct((NACC, DH), jnp.float32),
        jax.ShapeDtypeStruct((NACC,), jnp.float32),
        jax.ShapeDtypeStruct((NACC,), jnp.float32),
    ),
    mesh=plsc.VectorSubcoreMesh(
        core_axis_name="c", subcore_axis_name="s",
        num_cores=NC, num_subcores=NS),
    compiler_params=pltpu.CompilerParams(use_tc_tiling_on_sc=False),
    scratch_types=[
        pltpu.VMEM((KT, CH), jnp.int32),
        pltpu.VMEM((KT, CH), jnp.int32),
        pltpu.VMEM((NBUF, CH, DH), jnp.float32),
        pltpu.VMEM((CH,), jnp.float32),
        pltpu.SemaphoreType.DMA,
        pltpu.SemaphoreType.DMA,
        pltpu.SemaphoreType.DMA,
        pltpu.SemaphoreType.DMA,
        pltpu.SemaphoreType.DMA,
        pltpu.SemaphoreType.DMA,
        pltpu.VMEM_SHARED((NACC, DH), jnp.float32),
        pltpu.VMEM_SHARED((NACC,), jnp.float32),
    ],
)(_sc_body)


BN = 2000

_DN = (((1,), (1,)), ((), ()))


def _tc_self_body(feat_ref, ws_ref, out_ref):
    out_ref[...] = lax.dot_general(feat_ref[...], ws_ref[...], _DN,
                                   preferred_element_type=jnp.float32)


_tc_self = pl.pallas_call(
    _tc_self_body,
    grid=(N // BN,),
    in_specs=[
        pl.BlockSpec((BN, D), lambda i: (i, 0)),
        pl.BlockSpec((D, D), lambda i: (0, 0)),
    ],
    out_specs=pl.BlockSpec((BN, D), lambda i: (i, 0)),
    out_shape=jax.ShapeDtypeStruct((N, D), jnp.float32),
)


def _tc_body(acc0_ref, acc1_ref, deg_ref, self_ref, wn_ref, out_ref):
    s = jnp.concatenate((acc0_ref[...], acc1_ref[...]), axis=1)
    deg = deg_ref[...]
    degs = jnp.maximum(deg[:, 0:1] + deg[:, 1:2], 1.0)
    hn = s / degs
    out_ref[...] = self_ref[...] + lax.dot_general(
        hn, wn_ref[...], _DN, preferred_element_type=jnp.float32)


_tc_combine = pl.pallas_call(
    _tc_body,
    grid=(N // BN,),
    in_specs=[
        pl.BlockSpec((BN, DH), lambda i: (i, 0)),
        pl.BlockSpec((BN, DH), lambda i: (i, 0)),
        pl.BlockSpec((BN, NC), lambda i: (i, 0)),
        pl.BlockSpec((BN, D), lambda i: (i, 0)),
        pl.BlockSpec((D, D), lambda i: (0, 0)),
    ],
    out_specs=pl.BlockSpec((BN, D), lambda i: (i, 0)),
    out_shape=jax.ShapeDtypeStruct((N, D), jnp.float32),
)


def kernel(feat, edge_index, W_self, W_neigh, prev_layer_repeat, step, flag,
           reuse_embedding):
    E = edge_index.shape[1]
    pad = EPAD - E
    src = edge_index[0]
    dst = edge_index[1]
    pad_ar = jnp.arange(pad, dtype=jnp.int32)
    src_p = jnp.concatenate([src, pad_ar % N]).reshape(NS, KT, CH)
    dst_p = jnp.concatenate([dst, N + pad_ar % (NACC - N)]).reshape(NS, KT, CH)
    idx2 = 2 * src_p
    src2 = jnp.concatenate([idx2, idx2 + 1]).astype(jnp.int32)
    feat2 = feat.reshape(NC * N, DH)

    zeros2d = jnp.zeros((NACC, DH), jnp.float32)
    zeros1d = jnp.zeros((NACC,), jnp.float32)

    acc0, acc1, deg0, deg1 = _sc_aggregate(feat2, src2, dst_p,
                                           zeros2d, zeros1d)
    deg = jnp.stack([deg0, deg1], axis=1)
    self_part = _tc_self(feat, W_self)

    return _tc_combine(acc0, acc1, deg, self_part, W_neigh)

# --- scband reference (transcript-rebuilt; emitter-appended) ---
"""Pipeline reference for scband-sageconv-cache-reuse-38543036514866 (READ-ONLY COPY).

The authoritative reference and input builder live on the scoring server;
editing this copy changes nothing except your own understanding.
"""

import jax, jax.numpy as jnp
import numpy as np

N = 10000
E = 320000
D_IN = 128
D_OUT = 128


def setup_inputs(seed: int = 0) -> dict:
    key = jax.random.key(seed)
    k1, k2, k3, k4 = jax.random.split(key, 4)
    feat = jax.random.normal(k1, (N, D_IN), dtype=jnp.float32)
    edge_index = jax.random.randint(k2, (2, E), 0, N, dtype=jnp.int32)
    # xavier_uniform with relu gain for fc_self / fc_neigh (bias=False)
    gain = float(np.sqrt(2.0))
    limit = gain * float(np.sqrt(6.0 / (D_IN + D_OUT)))
    W_self = jax.random.uniform(k3, (D_OUT, D_IN), dtype=jnp.float32, minval=-limit, maxval=limit)
    W_neigh = jax.random.uniform(k4, (D_OUT, D_IN), dtype=jnp.float32, minval=-limit, maxval=limit)
    return {
        "feat": feat,
        "edge_index": edge_index,
        "W_self": W_self,
        "W_neigh": W_neigh,
        "prev_layer_repeat": jnp.zeros((1, 2), dtype=jnp.int32),
        "step": 0,
        "flag": 1,
        "reuse_embedding": jnp.zeros((1, D_OUT), dtype=jnp.float32),
    }


def reference(feat, edge_index, W_self, W_neigh, prev_layer_repeat, step, flag, reuse_embedding):
    # SAGEConv with 'mean' aggregator, flag != 0 path (returns rst only).
    src = edge_index[0]
    dst = edge_index[1]
    feat_src = feat
    feat_dst = feat
    h_self = feat_dst
    # update_all(copy_src, mean): gather messages from src, mean-reduce onto dst
    msgs = jnp.take(feat_src, src, axis=0)              # [E, D_IN] gather
    summed = jax.ops.segment_sum(msgs, dst, num_segments=N)  # [N, D_IN] scatter-add
    deg = jax.ops.segment_sum(jnp.ones((E,), dtype=feat.dtype), dst, num_segments=N)
    h_neigh = summed / jnp.maximum(deg, 1.0)[:, None]   # DGL mean: 0 for isolated dst
    h_neigh = h_neigh @ W_neigh.T                        # fc_neigh (no bias)
    rst = h_self @ W_self.T + h_neigh                    # fc_self + h_neigh
    return rst

if __name__ == "__main__":
    import jax
    _d = setup_inputs()
    print(jax.jit(kernel)(*tuple(_d.values())))

</pallas_src>

<mosaic_0001>
#map = affine_map<(d0, d1) -> (0, 0)>
#map1 = affine_map<(d0, d1) -> (0, 0, 0)>
#map2 = affine_map<(d0, d1) -> (0)>
module attributes {stable_mosaic.version = 14 : i64} {
  func.func @_sc_body(%arg0: i32, %arg1: i32, %arg2: memref<20000x64xf32, #tpu.memory_space<hbm>>, %arg3: memref<32x160x128xi32, #tpu.memory_space<hbm>>, %arg4: memref<16x160x128xi32, #tpu.memory_space<hbm>>, %arg5: memref<10240x64xf32, #tpu.memory_space<hbm>>, %arg6: memref<10240xf32, #tpu.memory_space<hbm>>, %arg7: memref<10240x64xf32, #tpu.memory_space<hbm>>, %arg8: memref<10240x64xf32, #tpu.memory_space<hbm>>, %arg9: memref<10240xf32, #tpu.memory_space<hbm>>, %arg10: memref<10240xf32, #tpu.memory_space<hbm>>, %arg11: memref<160x128xi32, #tpu.memory_space<vmem>>, %arg12: memref<160x128xi32, #tpu.memory_space<vmem>>, %arg13: memref<5x128x64xf32, #tpu.memory_space<vmem>>, %arg14: memref<128xf32, #tpu.memory_space<vmem>>, %arg15: memref<!tpu.dma_semaphore, #tpu.memory_space<semaphore_mem>>, %arg16: memref<!tpu.dma_semaphore, #tpu.memory_space<semaphore_mem>>, %arg17: memref<!tpu.dma_semaphore, #tpu.memory_space<semaphore_mem>>, %arg18: memref<!tpu.dma_semaphore, #tpu.memory_space<semaphore_mem>>, %arg19: memref<!tpu.dma_semaphore, #tpu.memory_space<semaphore_mem>>, %arg20: memref<!tpu.dma_semaphore, #tpu.memory_space<semaphore_mem>>, %arg21: memref<10240x64xf32, #tpu.memory_space<vmem_shared>>, %arg22: memref<10240xf32, #tpu.memory_space<vmem_shared>>) attributes {dimension_semantics = [#tpu.dimension_semantics<core_parallel>, #tpu.dimension_semantics<subcore_parallel>], iteration_bounds = array<i64: 2, 16>, scalar_prefetch = 0 : i64, scratch_operands = 12 : i64, tpu.core_type = #tpu.core_type<sc_vector_subcore>, window_params = [{transform_indices = #map}, {transform_indices = #map1}, {transform_indices = #map1}, {transform_indices = #map}, {transform_indices = #map2}, {transform_indices = #map}, {transform_indices = #map}, {transform_indices = #map2}, {transform_indices = #map2}]} {
    %mul3A = arith.constant 16 : i32
    %mul3A_0 = arith.muli %arg0, %mul3A : i32
    %add3A = arith.addi %mul3A_0, %arg1 : i32
    %mul3A_1 = arith.constant 640 : i32
    %mul3A_2 = arith.muli %arg1, %mul3A_1 : i32
    "tpu.region"() ({
      %run_scoped3A = tpu.sem_alloc : memref<!tpu.dma_semaphore, #tpu.memory_space<semaphore_mem>>
      %dma_start3A_121 = arith.constant 0 : i32
      %dma_start3A_122 = arith.constant 0 : i32
      %dma_start3A_123 = tpu.memref_slice %arg3[%add3A, %dma_start3A_121, %dma_start3A_122] : memref<32x160x128xi32, #tpu.memory_space<hbm>> -> memref<1x160x128xi32, #tpu.memory_space<hbm>>
      %dma_start3A_124 = tpu.memref_squeeze %dma_start3A_123 : memref<1x160x128xi32, #tpu.memory_space<hbm>> -> memref<160x128xi32, #tpu.memory_space<hbm>>
      %dma_start3A_125 = arith.constant 0 : i32
      %dma_start3A_126 = arith.constant 0 : i32
      %dma_start3A_127 = tpu.memref_slice %arg3[%add3A, %dma_start3A_125, %dma_start3A_126] : memref<32x160x128xi32, #tpu.memory_space<hbm>> -> memref<1x160x128xi32, #tpu.memory_space<hbm>>
      %dma_start3A_128 = tpu.memref_squeeze %dma_start3A_127 : memref<1x160x128xi32, #tpu.memory_space<hbm>> -> memref<160x128xi32, #tpu.memory_space<hbm>>
      tpu.enqueue_dma source(%dma_start3A_128 : memref<160x128xi32, #tpu.memory_space<hbm>>) target(%arg11 : memref<160x128xi32, #tpu.memory_space<vmem>>) target_semaphore(%run_scoped3A : memref<!tpu.dma_semaphore, #tpu.memory_space<semaphore_mem>>)
      %dma_wait3A_129 = arith.constant 0 : i32
      %dma_wait3A_130 = arith.constant 0 : i32
      %dma_wait3A_131 = tpu.memref_slice %arg3[%add3A, %dma_wait3A_129, %dma_wait3A_130] : memref<32x160x128xi32, #tpu.memory_space<hbm>> -> memref<1x160x128xi32, #tpu.memory_space<hbm>>
      %dma_wait3A_132 = tpu.memref_squeeze %dma_wait3A_131 : memref<1x160x128xi32, #tpu.memory_space<hbm>> -> memref<160x128xi32, #tpu.memory_space<hbm>>
      %dma_wait3A_133 = arith.constant 0 : i32
      %dma_wait3A_134 = arith.constant 0 : i32
      %dma_wait3A_135 = tpu.memref_slice %arg3[%add3A, %dma_wait3A_133, %dma_wait3A_134] : memref<32x160x128xi32, #tpu.memory_space<hbm>> -> memref<1x160x128xi32, #tpu.memory_space<hbm>>
      %dma_wait3A_136 = tpu.memref_squeeze %dma_wait3A_135 : memref<1x160x128xi32, #tpu.memory_space<hbm>> -> memref<160x128xi32, #tpu.memory_space<hbm>>
      tpu.wait_dma2 semaphore(%run_scoped3A : memref<!tpu.dma_semaphore, #tpu.memory_space<semaphore_mem>>) src(%dma_wait3A_136 : memref<160x128xi32, #tpu.memory_space<hbm>>) dst(%arg11 : memref<160x128xi32, #tpu.memory_space<vmem>>)
      tpu.yield
    }) : () -> ()
    "tpu.region"() ({
      %run_scoped3A = tpu.sem_alloc : memref<!tpu.dma_semaphore, #tpu.memory_space<semaphore_mem>>
      %dma_start3A_121 = arith.constant 0 : i32
      %dma_start3A_122 = arith.constant 0 : i32
      %dma_start3A_123 = tpu.memref_slice %arg4[%arg1, %dma_start3A_121, %dma_start3A_122] : memref<16x160x128xi32, #tpu.memory_space<hbm>> -> memref<1x160x128xi32, #tpu.memory_space<hbm>>
      %dma_start3A_124 = tpu.memref_squeeze %dma_start3A_123 : memref<1x160x128xi32, #tpu.memory_space<hbm>> -> memref<160x128xi32, #tpu.memory_space<hbm>>
      %dma_start3A_125 = arith.constant 0 : i32
      %dma_start3A_126 = arith.constant 0 : i32
      %dma_start3A_127 = tpu.memref_slice %arg4[%arg1, %dma_start3A_125, %dma_start3A_126] : memref<16x160x128xi32, #tpu.memory_space<hbm>> -> memref<1x160x128xi32, #tpu.memory_space<hbm>>
      %dma_start3A_128 = tpu.memref_squeeze %dma_start3A_127 : memref<1x160x128xi32, #tpu.memory_space<hbm>> -> memref<160x128xi32, #tpu.memory_space<hbm>>
      tpu.enqueue_dma source(%dma_start3A_128 : memref<160x128xi32, #tpu.memory_space<hbm>>) target(%arg12 : memref<160x128xi32, #tpu.memory_space<vmem>>) target_semaphore(%run_scoped3A : memref<!tpu.dma_semaphore, #tpu.memory_space<semaphore_mem>>)
      %dma_wait3A_129 = arith.constant 0 : i32
      %dma_wait3A_130 = arith.constant 0 : i32
      %dma_wait3A_131 = tpu.memref_slice %arg4[%arg1, %dma_wait3A_129, %dma_wait3A_130] : memref<16x160x128xi32, #tpu.memory_space<hbm>> -> memref<1x160x128xi32, #tpu.memory_space<hbm>>
      %dma_wait3A_132 = tpu.memref_squeeze %dma_wait3A_131 : memref<1x160x128xi32, #tpu.memory_space<hbm>> -> memref<160x128xi32, #tpu.memory_space<hbm>>
      %dma_wait3A_133 = arith.constant 0 : i32
      %dma_wait3A_134 = arith.constant 0 : i32
      %dma_wait3A_135 = tpu.memref_slice %arg4[%arg1, %dma_wait3A_133, %dma_wait3A_134] : memref<16x160x128xi32, #tpu.memory_space<hbm>> -> memref<1x160x128xi32, #tpu.memory_space<hbm>>
      %dma_wait3A_136 = tpu.memref_squeeze %dma_wait3A_135 : memref<1x160x128xi32, #tpu.memory_space<hbm>> -> memref<160x128xi32, #tpu.memory_space<hbm>>
      tpu.wait_dma2 semaphore(%run_scoped3A : memref<!tpu.dma_semaphore, #tpu.memory_space<semaphore_mem>>) src(%dma_wait3A_136 : memref<160x128xi32, #tpu.memory_space<hbm>>) dst(%arg12 : memref<160x128xi32, #tpu.memory_space<vmem>>)
      tpu.yield
    }) : () -> ()
    "tpu.region"() ({
      %run_scoped3A = tpu.sem_alloc : memref<!tpu.dma_semaphore, #tpu.memory_space<semaphore_mem>>
      %dma_start3A_121 = arith.constant 0 : i32
      %dma_start3A_122 = tpu.memref_slice %arg21[%mul3A_2, %dma_start3A_121] : memref<10240x64xf32, #tpu.memory_space<vmem_shared>> -> memref<640x64xf32, #tpu.memory_space<vmem_shared>>
      %dma_start3A_123 = arith.constant 0 : i32
      %dma_start3A_124 = tpu.memref_slice %arg5[%mul3A_2, %dma_start3A_123] : memref<10240x64xf32, #tpu.memory_space<hbm>> -> memref<640x64xf32, #tpu.memory_space<hbm>>
      tpu.enqueue_dma source(%dma_start3A_124 : memref<640x64xf32, #tpu.memory_space<hbm>>) target(%dma_start3A_122 : memref<640x64xf32, #tpu.memory_space<vmem_shared>>) target_semaphore(%run_scoped3A : memref<!tpu.dma_semaphore, #tpu.memory_space<semaphore_mem>>)
      %dma_wait3A_125 = arith.constant 0 : i32
      %dma_wait3A_126 = tpu.memref_slice %arg21[%mul3A_2, %dma_wait3A_125] : memref<10240x64xf32, #tpu.memory_space<vmem_shared>> -> memref<640x64xf32, #tpu.memory_space<vmem_shared>>
      %dma_wait3A_127 = arith.constant 0 : i32
      %dma_wait3A_128 = tpu.memref_slice %arg5[%mul3A_2, %dma_wait3A_127] : memref<10240x64xf32, #tpu.memory_space<hbm>> -> memref<640x64xf32, #tpu.memory_space<hbm>>
      tpu.wait_dma2 semaphore(%run_scoped3A : memref<!tpu.dma_semaphore, #tpu.memory_space<semaphore_mem>>) src(%dma_wait3A_128 : memref<640x64xf32, #tpu.memory_space<hbm>>) dst(%dma_wait3A_126 : memref<640x64xf32, #tpu.memory_space<vmem_shared>>)
      tpu.yield
    }) : () -> ()
    "tpu.region"() ({
      %run_scoped3A = tpu.sem_alloc : memref<!tpu.dma_semaphore, #tpu.memory_space<semaphore_mem>>
      %dma_start3A_121 = tpu.memref_slice %arg22[%mul3A_2] : memref<10240xf32, #tpu.memory_space<vmem_shared>> -> memref<640xf32, #tpu.memory_space<vmem_shared>>
      %dma_start3A_122 = tpu.memref_slice %arg6[%mul3A_2] : memref<10240xf32, #tpu.memory_space<hbm>> -> memref<640xf32, #tpu.memory_space<hbm>>
      tpu.enqueue_dma source(%dma_start3A_122 : memref<640xf32, #tpu.memory_space<hbm>>) target(%dma_start3A_121 : memref<640xf32, #tpu.memory_space<vmem_shared>>) target_semaphore(%run_scoped3A : memref<!tpu.dma_semaphore, #tpu.memory_space<semaphore_mem>>)
      %dma_wait3A_123 = tpu.memref_slice %arg22[%mul3A_2] : memref<10240xf32, #tpu.memory_space<vmem_shared>> -> memref<640xf32, #tpu.memory_space<vmem_shared>>
      %dma_wait3A_124 = tpu.memref_slice %arg6[%mul3A_2] : memref<10240xf32, #tpu.memory_space<hbm>> -> memref<640xf32, #tpu.memory_space<hbm>>
      tpu.wait_dma2 semaphore(%run_scoped3A : memref<!tpu.dma_semaphore, #tpu.memory_space<semaphore_mem>>) src(%dma_wait3A_124 : memref<640xf32, #tpu.memory_space<hbm>>) dst(%dma_wait3A_123 : memref<640xf32, #tpu.memory_space<vmem_shared>>)
      tpu.yield
    }) : () -> ()
    %broadcast_in_dim3A = arith.constant 1.000000e+00 : f32
    %broadcast_in_dim3A_3 = vector.broadcast %broadcast_in_dim3A : f32 to vector<16xf32>
    %swap3A = arith.constant 0 : index
    %swap3A_4 = tpu.vector_load %arg14[%swap3A] {strides = array<i32>} : memref<128xf32, #tpu.memory_space<vmem>>, vector<16xf32>,
    %swap3A_5 = vector.shape_cast %swap3A_4 : vector<16xf32> to vector<16xf32>
    %swap3A_6 = vector.shape_cast %broadcast_in_dim3A_3 : vector<16xf32> to vector<16xf32>
    tpu.vector_store %arg14[%swap3A], %swap3A_6 {strides = array<i32>} : memref<128xf32, #tpu.memory_space<vmem>>, vector<16xf32>,
    %swap3A_7 = arith.constant 16 : index
    %swap3A_8 = tpu.vector_load %arg14[%swap3A_7] {strides = array<i32>} : memref<128xf32, #tpu.memory_space<vmem>>, vector<16xf32>,
    %swap3A_9 = vector.shape_cast %swap3A_8 : vector<16xf32> to vector<16xf32>
    %swap3A_10 = vector.shape_cast %broadcast_in_dim3A_3 : vector<16xf32> to vector<16xf32>
    tpu.vector_store %arg14[%swap3A_7], %swap3A_10 {strides = array<i32>} : memref<128xf32, #tpu.memory_space<vmem>>, vector<16xf32>,
    %swap3A_11 = arith.constant 32 : index
    %swap3A_12 = tpu.vector_load %arg14[%swap3A_11] {strides = array<i32>} : memref<128xf32, #tpu.memory_space<vmem>>, vector<16xf32>,
    %swap3A_13 = vector.shape_cast %swap3A_12 : vector<16xf32> to vector<16xf32>
    %swap3A_14 = vector.shape_cast %broadcast_in_dim3A_3 : vector<16xf32> to vector<16xf32>
    tpu.vector_store %arg14[%swap3A_11], %swap3A_14 {strides = array<i32>} : memref<128xf32, #tpu.memory_space<vmem>>, vector<16xf32>,
    %swap3A_15 = arith.constant 48 : index
    %swap3A_16 = tpu.vector_load %arg14[%swap3A_15] {strides = array<i32>} : memref<128xf32, #tpu.memory_space<vmem>>, vector<16xf32>,
    %swap3A_17 = vector.shape_cast %swap3A_16 : vector<16xf32> to vector<16xf32>
    %swap3A_18 = vector.shape_cast %broadcast_in_dim3A_3 : vector<16xf32> to vector<16xf32>
    tpu.vector_store %arg14[%swap3A_15], %swap3A_18 {strides = array<i32>} : memref<128xf32, #tpu.memory_space<vmem>>, vector<16xf32>,
    %swap3A_19 = arith.constant 64 : index
    %swap3A_20 = tpu.vector_load %arg14[%swap3A_19] {strides = array<i32>} : memref<128xf32, #tpu.memory_space<vmem>>, vector<16xf32>,
    %swap3A_21 = vector.shape_cast %swap3A_20 : vector<16xf32> to vector<16xf32>
    %swap3A_22 = vector.shape_cast %broadcast_in_dim3A_3 : vector<16xf32> to vector<16xf32>
    tpu.vector_store %arg14[%swap3A_19], %swap3A_22 {strides = array<i32>} : memref<128xf32, #tpu.memory_space<vmem>>, vector<16xf32>,
    %swap3A_23 = arith.constant 80 : index
    %swap3A_24 = tpu.vector_load %arg14[%swap3A_23] {strides = array<i32>} : memref<128xf32, #tpu.memory_space<vmem>>, vector<16xf32>,
    %swap3A_25 = vector.shape_cast %swap3A_24 : vector<16xf32> to vector<16xf32>
    %swap3A_26 = vector.shape_cast %broadcast_in_dim3A_3 : vector<16xf32> to vector<16xf32>
    tpu.vector_store %arg14[%swap3A_23], %swap3A_26 {strides = array<i32>} : memref<128xf32, #tpu.memory_space<vmem>>, vector<16xf32>,
    %swap3A_27 = arith.constant 96 : index
    %swap3A_28 = tpu.vector_load %arg14[%swap3A_27] {strides = array<i32>} : memref<128xf32, #tpu.memory_space<vmem>>, vector<16xf32>,
    %swap3A_29 = vector.shape_cast %swap3A_28 : vector<16xf32> to vector<16xf32>
    %swap3A_30 = vector.shape_cast %broadcast_in_dim3A_3 : vector<16xf32> to vector<16xf32>
    tpu.vector_store %arg14[%swap3A_27], %swap3A_30 {strides = array<i32>} : memref<128xf32, #tpu.memory_space<vmem>>, vector<16xf32>,
    %swap3A_31 = arith.constant 112 : index
    %swap3A_32 = tpu.vector_load %arg14[%swap3A_31] {strides = array<i32>} : memref<128xf32, #tpu.memory_space<vmem>>, vector<16xf32>,
    %swap3A_33 = vector.shape_cast %swap3A_32 : vector<16xf32> to vector<16xf32>
    %swap3A_34 = vector.shape_cast %broadcast_in_dim3A_3 : vector<16xf32> to vector<16xf32>
    tpu.vector_store %arg14[%swap3A_31], %swap3A_34 {strides = array<i32>} : memref<128xf32, #tpu.memory_space<vmem>>, vector<16xf32>,
    %barrier3A = arith.constant 0 : index
    tpu.barrier barrier_id(%barrier3A)
    %dma_start3A = arith.constant 0 : i32
    %dma_start3A_35 = arith.constant 0 : i32
    %dma_start3A_36 = arith.constant 0 : i32
    %dma_start3A_37 = arith.constant 0 : i32
    %dma_start3A_38 = tpu.memref_slice %arg13[%dma_start3A_35, %dma_start3A_36, %dma_start3A_37] : memref<5x128x64xf32, #tpu.memory_space<vmem>> -> memref<1x128x64xf32, #tpu.memory_space<vmem>>
    %dma_start3A_39 = tpu.memref_squeeze %dma_start3A_38 : memref<1x128x64xf32, #tpu.memory_space<vmem>> -> memref<128x64xf32, #tpu.memory_space<vmem>>
    %dma_start3A_40 = arith.constant 0 : i32
    %dma_start3A_41 = tpu.memref_slice %arg11[%dma_start3A, %dma_start3A_40] : memref<160x128xi32, #tpu.memory_space<vmem>> -> memref<1x128xi32, #tpu.memory_space<vmem>>
    %dma_start3A_42 = tpu.memref_squeeze %dma_start3A_41 : memref<1x128xi32, #tpu.memory_space<vmem>> -> memref<128xi32, #tpu.memory_space<vmem>>
    %dma_start3A_43 = arith.constant 0 : i32
    %dma_start3A_44 = arith.constant 0 : i32
    %dma_start3A_45 = tpu.memref_slice %arg2[%dma_start3A_43, %dma_start3A_44] : memref<20000x64xf32, #tpu.memory_space<hbm>> -> memref<20000x64xf32, #tpu.memory_space<hbm>>
    tpu.enqueue_indirect_dma source(%dma_start3A_45 : memref<20000x64xf32, #tpu.memory_space<hbm>>) target(%dma_start3A_39 : memref<128x64xf32, #tpu.memory_space<vmem>>) offsets(%dma_start3A_42 : memref<128xi32, #tpu.memory_space<vmem>>) semaphore(%arg15 : memref<!tpu.dma_semaphore, #tpu.memory_space<semaphore_mem>>)
    %dma_start3A_46 = arith.constant 1 : i32
    %dma_start3A_47 = arith.constant 1 : i32
    %dma_start3A_48 = arith.constant 0 : i32
    %dma_start3A_49 = arith.constant 0 : i32
    %dma_start3A_50 = tpu.memref_slice %arg13[%dma_start3A_47, %dma_start3A_48, %dma_start3A_49] : memref<5x128x64xf32, #tpu.memory_space<vmem>> -> memref<1x128x64xf32, #tpu.memory_space<vmem>>
    %dma_start3A_51 = tpu.memref_squeeze %dma_start3A_50 : memref<1x128x64xf32, #tpu.memory_space<vmem>> -> memref<128x64xf32, #tpu.memory_space<vmem>>
    %dma_start3A_52 = arith.constant 0 : i32
    %dma_start3A_53 = tpu.memref_slice %arg11[%dma_start3A_46, %dma_start3A_52] : memref<160x128xi32, #tpu.memory_space<vmem>> -> memref<1x128xi32, #tpu.memory_space<vmem>>
    %dma_start3A_54 = tpu.memref_squeeze %dma_start3A_53 : memref<1x128xi32, #tpu.memory_space<vmem>> -> memref<128xi32, #tpu.memory_space<vmem>>
    %dma_start3A_55 = arith.constant 0 : i32
    %dma_start3A_56 = arith.constant 0 : i32
    %dma_start3A_57 = tpu.memref_slice %arg2[%dma_start3A_55, %dma_start3A_56] : memref<20000x64xf32, #tpu.memory_space<hbm>> -> memref<20000x64xf32, #tpu.memory_space<hbm>>
    tpu.enqueue_indirect_dma source(%dma_start3A_57 : memref<20000x64xf32, #tpu.memory_space<hbm>>) target(%dma_start3A_51 : memref<128x64xf32, #tpu.memory_space<vmem>>) offsets(%dma_start3A_54 : memref<128xi32, #tpu.memory_space<vmem>>) semaphore(%arg16 : memref<!tpu.dma_semaphore, #tpu.memory_space<semaphore_mem>>)
    %dma_start3A_58 = arith.constant 2 : i32
    %dma_start3A_59 = arith.constant 2 : i32
    %dma_start3A_60 = arith.constant 0 : i32
    %dma_start3A_61 = arith.constant 0 : i32
    %dma_start3A_62 = tpu.memref_slice %arg13[%dma_start3A_59, %dma_start3A_60, %dma_start3A_61] : memref<5x128x64xf32, #tpu.memory_space<vmem>> -> memref<1x128x64xf32, #tpu.memory_space<vmem>>
    %dma_start3A_63 = tpu.memref_squeeze %dma_start3A_62 : memref<1x128x64xf32, #tpu.memory_space<vmem>> -> memref<128x64xf32, #tpu.memory_space<vmem>>
    %dma_start3A_64 = arith.constant 0 : i32
    %dma_start3A_65 = tpu.memref_slice %arg11[%dma_start3A_58, %dma_start3A_64] : memref<160x128xi32, #tpu.memory_space<vmem>> -> memref<1x128xi32, #tpu.memory_space<vmem>>
    %dma_start3A_66 = tpu.memref_squeeze %dma_start3A_65 : memref<1x128xi32, #tpu.memory_space<vmem>> -> memref<128xi32, #tpu.memory_space<vmem>>
    %dma_start3A_67 = arith.constant 0 : i32
    %dma_start3A_68 = arith.constant 0 : i32
    %dma_start3A_69 = tpu.memref_slice %arg2[%dma_start3A_67, %dma_start3A_68] : memref<20000x64xf32, #tpu.memory_space<hbm>> -> memref<20000x64xf32, #tpu.memory_space<hbm>>
    tpu.enqueue_indirect_dma source(%dma_start3A_69 : memref<20000x64xf32, #tpu.memory_space<hbm>>) target(%dma_start3A_63 : memref<128x64xf32, #tpu.memory_space<vmem>>) offsets(%dma_start3A_66 : memref<128xi32, #tpu.memory_space<vmem>>) semaphore(%arg17 : memref<!tpu.dma_semaphore, #tpu.memory_space<semaphore_mem>>)
    %dma_start3A_70 = arith.constant 3 : i32
    %dma_start3A_71 = arith.constant 3 : i32
    %dma_start3A_72 = arith.constant 0 : i32
    %dma_start3A_73 = arith.constant 0 : i32
    %dma_start3A_74 = tpu.memref_slice %arg13[%dma_start3A_71, %dma_start3A_72, %dma_start3A_73] : memref<5x128x64xf32, #tpu.memory_space<vmem>> -> memref<1x128x64xf32, #tpu.memory_space<vmem>>
    %dma_start3A_75 = tpu.memref_squeeze %dma_start3A_74 : memref<1x128x64xf32, #tpu.memory_space<vmem>> -> memref<128x64xf32, #tpu.memory_space<vmem>>
    %dma_start3A_76 = arith.constant 0 : i32
    %dma_start3A_77 = tpu.memref_slice %arg11[%dma_start3A_70, %dma_start3A_76] : memref<160x128xi32, #tpu.memory_space<vmem>> -> memref<1x128xi32, #tpu.memory_space<vmem>>
    %dma_start3A_78 = tpu.memref_squeeze %dma_start3A_77 : memref<1x128xi32, #tpu.memory_space<vmem>> -> memref<128xi32, #tpu.memory_space<vmem>>
    %dma_start3A_79 = arith.constant 0 : i32
    %dma_start3A_80 = arith.constant 0 : i32
    %dma_start3A_81 = tpu.memref_slice %arg2[%dma_start3A_79, %dma_start3A_80] : memref<20000x64xf32, #tpu.memory_space<hbm>> -> memref<20000x64xf32, #tpu.memory_space<hbm>>
    tpu.enqueue_indirect_dma source(%dma_start3A_81 : memref<20000x64xf32, #tpu.memory_space<hbm>>) target(%dma_start3A_75 : memref<128x64xf32, #tpu.memory_space<vmem>>) offsets(%dma_start3A_78 : memref<128xi32, #tpu.memory_space<vmem>>) semaphore(%arg18 : memref<!tpu.dma_semaphore, #tpu.memory_space<semaphore_mem>>)
    %dma_start3A_82 = arith.constant 4 : i32
    %dma_start3A_83 = arith.constant 4 : i32
    %dma_start3A_84 = arith.constant 0 : i32
    %dma_start3A_85 = arith.constant 0 : i32
    %dma_start3A_86 = tpu.memref_slice %arg13[%dma_start3A_83, %dma_start3A_84, %dma_start3A_85] : memref<5x128x64xf32, #tpu.memory_space<vmem>> -> memref<1x128x64xf32, #tpu.memory_space<vmem>>
    %dma_start3A_87 = tpu.memref_squeeze %dma_start3A_86 : memref<1x128x64xf32, #tpu.memory_space<vmem>> -> memref<128x64xf32, #tpu.memory_space<vmem>>
    %dma_start3A_88 = arith.constant 0 : i32
    %dma_start3A_89 = tpu.memref_slice %arg11[%dma_start3A_82, %dma_start3A_88] : memref<160x128xi32, #tpu.memory_space<vmem>> -> memref<1x128xi32, #tpu.memory_space<vmem>>
    %dma_start3A_90 = tpu.memref_squeeze %dma_start3A_89 : memref<1x128xi32, #tpu.memory_space<vmem>> -> memref<128xi32, #tpu.memory_space<vmem>>
    %dma_start3A_91 = arith.constant 0 : i32
    %dma_start3A_92 = arith.constant 0 : i32
    %dma_start3A_93 = tpu.memref_slice %arg2[%dma_start3A_91, %dma_start3A_92] : memref<20000x64xf32, #tpu.memory_space<hbm>> -> memref<20000x64xf32, #tpu.memory_space<hbm>>
    tpu.enqueue_indirect_dma source(%dma_start3A_93 : memref<20000x64xf32, #tpu.memory_space<hbm>>) target(%dma_start3A_87 : memref<128x64xf32, #tpu.memory_space<vmem>>) offsets(%dma_start3A_90 : memref<128xi32, #tpu.memory_space<vmem>>) semaphore(%arg19 : memref<!tpu.dma_semaphore, #tpu.memory_space<semaphore_mem>>)
    %scan3A = arith.constant 0 : i32
    %scan3A_94 = arith.constant 0 : i32
    %scan3A_95 = arith.constant 32 : i32
    %scan3A_96 = arith.addi %scan3A_94, %scan3A_95 : i32
    %scan3A_97 = arith.constant 1 : i32
    scf.for %scan3A_121 = %scan3A_94 to %scan3A_96 step %scan3A_97  : i32 {
      %mul3A_122 = arith.constant 5 : i32
      %mul3A_123 = arith.muli %scan3A_121, %mul3A_122 : i32
      %add3A_124 = arith.constant 0 : i32
      %add3A_125 = arith.addi %mul3A_123, %add3A_124 : i32
      %dma_wait3A_126 = arith.constant 0 : i32
      %dma_wait3A_127 = arith.constant 0 : i32
      %dma_wait3A_128 = arith.constant 0 : i32
      %dma_wait3A_129 = tpu.memref_slice %arg13[%dma_wait3A_126, %dma_wait3A_127, %dma_wait3A_128] : memref<5x128x64xf32, #tpu.memory_space<vmem>> -> memref<1x128x64xf32, #tpu.memory_space<vmem>>
      %dma_wait3A_130 = tpu.memref_squeeze %dma_wait3A_129 : memref<1x128x64xf32, #tpu.memory_space<vmem>> -> memref<128x64xf32, #tpu.memory_space<vmem>>
      %dma_wait3A_131 = arith.constant 0 : i32
      %dma_wait3A_132 = arith.constant 0 : i32
      %dma_wait3A_133 = tpu.memref_slice %arg2[%dma_wait3A_131, %dma_wait3A_132] : memref<20000x64xf32, #tpu.memory_space<hbm>> -> memref<128x64xf32, #tpu.memory_space<hbm>>
      %dma_wait3A_134 = arith.constant 0 : i32
      %dma_wait3A_135 = arith.constant 0 : i32
      %dma_wait3A_136 = tpu.memref_slice %arg13[%dma_wait3A_126, %dma_wait3A_134, %dma_wait3A_135] : memref<5x128x64xf32, #tpu.memory_space<vmem>> -> memref<1x128x64xf32, #tpu.memory_space<vmem>>
      %dma_wait3A_137 = tpu.memref_squeeze %dma_wait3A_136 : memref<1x128x64xf32, #tpu.memory_space<vmem>> -> memref<128x64xf32, #tpu.memory_space<vmem>>
      %dma_wait3A_138 = arith.constant 0 : i32
      %dma_wait3A_139 = arith.constant 0 : i32
      %dma_wait3A_140 = tpu.memref_slice %arg2[%dma_wait3A_138, %dma_wait3A_139] : memref<20000x64xf32, #tpu.memory_space<hbm>> -> memref<128x64xf32, #tpu.memory_space<hbm>>
      tpu.wait_dma2 semaphore(%arg15 : memref<!tpu.dma_semaphore, #tpu.memory_space<semaphore_mem>>) src(%dma_wait3A_140 : memref<128x64xf32, #tpu.memory_space<hbm>>) dst(%dma_wait3A_137 : memref<128x64xf32, #tpu.memory_space<vmem>>)
      %mul3A_141 = arith.constant 5 : i32
      %mul3A_142 = arith.muli %scan3A_121, %mul3A_141 : i32
      %add3A_143 = arith.constant 0 : i32
      %add3A_144 = arith.addi %mul3A_142, %add3A_143 : i32
      %jit3A = arith.constant 2 : i32
      %eq3A_145 = arith.constant 0 : i32
      %eq3A_146 = arith.cmpi eq, %jit3A, %eq3A_145 : i32
      %jit3A_147 = arith.constant 1 : i32
      %select_n3A = arith.select %eq3A_146, %jit3A_147, %jit3A : i32
      %rem3A = arith.remsi %add3A_144, %select_n3A : i32
      %ne3A = arith.constant 0 : i32
      %ne3A_148 = arith.cmpi ne, %rem3A, %ne3A : i32
      %lt3A = arith.constant 0 : i32
      %lt3A_149 = arith.cmpi slt, %rem3A, %lt3A : i32
      %lt3A_150 = arith.constant 0 : i32
      %lt3A_151 = arith.cmpi slt, %select_n3A, %lt3A_150 : i32
      %ne3A_152 = arith.xori %lt3A_149, %lt3A_151 : i1
      %and3A = arith.andi %ne3A_152, %ne3A_148 : i1
      %add3A_153 = arith.addi %rem3A, %select_n3A : i32
      %select_n3A_154 = arith.select %and3A, %add3A_153, %rem3A : i32
      %eq3A_155 = arith.cmpi eq, %arg0, %select_n3A_154 : i32
      %convert_element_type3A_156 = arith.extui %eq3A_155 : i1 to i32
      %cond3A_157 = arith.constant 0 : i32
      %cond3A_158 = arith.cmpi ne, %convert_element_type3A_156, %cond3A_157 : i32
      scf.if %cond3A_158 {
        %dma_start3A_375 = arith.constant 0 : i32
        %dma_start3A_376 = tpu.memref_slice %arg12[%add3A_125, %dma_start3A_375] : memref<160x128xi32, #tpu.memory_space<vmem>> -> memref<1x128xi32, #tpu.memory_space<vmem>>
        %dma_start3A_377 = tpu.memref_squeeze %dma_start3A_376 : memref<1x128xi32, #tpu.memory_space<vmem>> -> memref<128xi32, #tpu.memory_space<vmem>>
        %dma_start3A_378 = arith.constant 0 : i32
        %dma_start3A_379 = tpu.memref_slice %arg22[%dma_start3A_378] : memref<10240xf32, #tpu.memory_space<vmem_shared>> -> memref<10240xf32, #tpu.memory_space<vmem_shared>>
        tpu.enqueue_indirect_dma source(%arg14 : memref<128xf32, #tpu.memory_space<vmem>>) target(%dma_start3A_379 : memref<10240xf32, #tpu.memory_space<vmem_shared>>) offsets(%dma_start3A_377 : memref<128xi32, #tpu.memory_space<vmem>>) semaphore(%arg20 : memref<!tpu.dma_semaphore, #tpu.memory_space<semaphore_mem>>) {add = true}
      } else {
      }
      %run_scoped3A = arith.constant 0 : i32
      "tpu.region"() ({
        %run_scoped3A_375 = tpu.sem_alloc : memref<!tpu.dma_semaphore, #tpu.memory_space<semaphore_mem>>
        %dma_start3A_376 = arith.constant 0 : i32
        %dma_start3A_377 = arith.constant 0 : i32
        %dma_start3A_378 = tpu.memref_slice %arg13[%run_scoped3A, %dma_start3A_376, %dma_start3A_377] : memref<5x128x64xf32, #tpu.memory_space<vmem>> -> memref<1x128x64xf32, #tpu.memory_space<vmem>>
        %dma_start3A_379 = tpu.memref_squeeze %dma_start3A_378 : memref<1x128x64xf32, #tpu.memory_space<vmem>> -> memref<128x64xf32, #tpu.memory_space<vmem>>
        %dma_start3A_380 = arith.constant 0 : i32
        %dma_start3A_381 = tpu.memref_slice %arg12[%add3A_125, %dma_start3A_380] : memref<160x128xi32, #tpu.memory_space<vmem>> -> memref<1x128xi32, #tpu.memory_space<vmem>>
        %dma_start3A_382 = tpu.memref_squeeze %dma_start3A_381 : memref<1x128xi32, #tpu.memory_space<vmem>> -> memref<128xi32, #tpu.memory_space<vmem>>
        %dma_start3A_383 = arith.constant 0 : i32
        %dma_start3A_384 = arith.constant 0 : i32
        %dma_start3A_385 = tpu.memref_slice %arg21[%dma_start3A_383, %dma_start3A_384] : memref<10240x64xf32, #tpu.memory_space<vmem_shared>> -> memref<10240x64xf32, #tpu.memory_space<vmem_shared>>
        tpu.enqueue_indirect_dma source(%dma_start3A_379 : memref<128x64xf32, #tpu.memory_space<vmem>>) target(%dma_start3A_385 : memref<10240x64xf32, #tpu.memory_space<vmem_shared>>) offsets(%dma_start3A_382 : memref<128xi32, #tpu.memory_space<vmem>>) semaphore(%run_scoped3A_375 : memref<!tpu.dma_semaphore, #tpu.memory_space<semaphore_mem>>) {add = true}
        %dma_wait3A_386 = arith.constant 0 : i32
        %dma_wait3A_387 = arith.constant 0 : i32
        %dma_wait3A_388 = tpu.memref_slice %arg13[%run_scoped3A, %dma_wait3A_386, %dma_wait3A_387] : memref<5x128x64xf32, #tpu.memory_space<vmem>> -> memref<1x128x64xf32, #tpu.memory_space<vmem>>
        %dma_wait3A_389 = tpu.memref_squeeze %dma_wait3A_388 : memref<1x128x64xf32, #tpu.memory_space<vmem>> -> memref<128x64xf32, #tpu.memory_space<vmem>>
        %dma_wait3A_390 = arith.constant 0 : i32
        %dma_wait3A_391 = tpu.memref_slice %arg12[%add3A_125, %dma_wait3A_390] : memref<160x128xi32, #tpu.memory_space<vmem>> -> memref<1x128xi32, #tpu.memory_space<vmem>>
        %dma_wait3A_392 = tpu.memref_squeeze %dma_wait3A_391 : memref<1x128xi32, #tpu.memory_space<vmem>> -> memref<128xi32, #tpu.memory_space<vmem>>
        %dma_wait3A_393 = arith.constant 0 : i32
        %dma_wait3A_394 = arith.constant 0 : i32
        %dma_wait3A_395 = tpu.memref_slice %arg21[%dma_wait3A_393, %dma_wait3A_394] : memref<10240x64xf32, #tpu.memory_space<vmem_shared>> -> memref<10240x64xf32, #tpu.memory_space<vmem_shared>>
        tpu.wait_indirect_dma semaphore(%run_scoped3A_375 : memref<!tpu.dma_semaphore, #tpu.memory_space<semaphore_mem>>) src(%dma_wait3A_389 : memref<128x64xf32, #tpu.memory_space<vmem>>) dst(%dma_wait3A_395 : memref<10240x64xf32, #tpu.memory_space<vmem_shared>>)
        tpu.yield
      }) : () -> ()
      %add3A_159 = arith.constant 5 : i32
      %add3A_160 = arith.addi %add3A_125, %add3A_159 : i32
      %lt3A_161 = arith.constant 160 : i32
      %lt3A_162 = arith.cmpi slt, %add3A_160, %lt3A_161 : i32
      %convert_element_type3A_163 = arith.extui %lt3A_162 : i1 to i32
      %cond3A_164 = arith.constant 0 : i32
      %cond3A_165 = arith.constant 0 : i32
      %cond3A_166 = arith.cmpi ne, %convert_element_type3A_163, %cond3A_165 : i32
      scf.if %cond3A_166 {
        %add3A_375 = arith.constant 5 : i32
        %add3A_376 = arith.addi %add3A_125, %add3A_375 : i32
        %dma_start3A_377 = arith.constant 0 : i32
        %dma_start3A_378 = arith.constant 0 : i32
        %dma_start3A_379 = tpu.memref_slice %arg13[%cond3A_164, %dma_start3A_377, %dma_start3A_378] : memref<5x128x64xf32, #tpu.memory_space<vmem>> -> memref<1x128x64xf32, #tpu.memory_space<vmem>>
        %dma_start3A_380 = tpu.memref_squeeze %dma_start3A_379 : memref<1x128x64xf32, #tpu.memory_space<vmem>> -> memref<128x64xf32, #tpu.memory_space<vmem>>
        %dma_start3A_381 = arith.constant 0 : i32
        %dma_start3A_382 = tpu.memref_slice %arg11[%add3A_376, %dma_start3A_381] : memref<160x128xi32, #tpu.memory_space<vmem>> -> memref<1x128xi32, #tpu.memory_space<vmem>>
        %dma_start3A_383 = tpu.memref_squeeze %dma_start3A_382 : memref<1x128xi32, #tpu.memory_space<vmem>> -> memref<128xi32, #tpu.memory_space<vmem>>
        %dma_start3A_384 = arith.constant 0 : i32
        %dma_start3A_385 = arith.constant 0 : i32
        %dma_start3A_386 = tpu.memref_slice %arg2[%dma_start3A_384, %dma_start3A_385] : memref<20000x64xf32, #tpu.memory_space<hbm>> -> memref<20000x64xf32, #tpu.memory_space<hbm>>
        tpu.enqueue_indirect_dma source(%dma_start3A_386 : memref<20000x64xf32, #tpu.memory_space<hbm>>) target(%dma_start3A_380 : memref<128x64xf32, #tpu.memory_space<vmem>>) offsets(%dma_start3A_383 : memref<128xi32, #tpu.memory_space<vmem>>) semaphore(%arg15 : memref<!tpu.dma_semaphore, #tpu.memory_space<semaphore_mem>>)
      } else {
      }
      %mul3A_167 = arith.constant 5 : i32
      %mul3A_168 = arith.muli %scan3A_121, %mul3A_167 : i32
      %add3A_169 = arith.constant 1 : i32
      %add3A_170 = arith.addi %mul3A_168, %add3A_169 : i32
      %dma_wait3A_171 = arith.constant 1 : i32
      %dma_wait3A_172 = arith.constant 0 : i32
      %dma_wait3A_173 = arith.constant 0 : i32
      %dma_wait3A_174 = tpu.memref_slice %arg13[%dma_wait3A_171, %dma_wait3A_172, %dma_wait3A_173] : memref<5x128x64xf32, #tpu.memory_space<vmem>> -> memref<1x128x64xf32, #tpu.memory_space<vmem>>
      %dma_wait3A_175 = tpu.memref_squeeze %dma_wait3A_174 : memref<1x128x64xf32, #tpu.memory_space<vmem>> -> memref<128x64xf32, #tpu.memory_space<vmem>>
      %dma_wait3A_176 = arith.constant 0 : i32
      %dma_wait3A_177 = arith.constant 0 : i32
      %dma_wait3A_178 = tpu.memref_slice %arg2[%dma_wait3A_176, %dma_wait3A_177] : memref<20000x64xf32, #tpu.memory_space<hbm>> -> memref<128x64xf32, #tpu.memory_space<hbm>>
      %dma_wait3A_179 = arith.constant 0 : i32
      %dma_wait3A_180 = arith.constant 0 : i32
      %dma_wait3A_181 = tpu.memref_slice %arg13[%dma_wait3A_171, %dma_wait3A_179, %dma_wait3A_180] : memref<5x128x64xf32, #tpu.memory_space<vmem>> -> memref<1x128x64xf32, #tpu.memory_space<vmem>>
      %dma_wait3A_182 = tpu.memref_squeeze %dma_wait3A_181 : memref<1x128x64xf32, #tpu.memory_space<vmem>> -> memref<128x64xf32, #tpu.memory_space<vmem>>
      %dma_wait3A_183 = arith.constant 0 : i32
      %dma_wait3A_184 = arith.constant 0 : i32
      %dma_wait3A_185 = tpu.memref_slice %arg2[%dma_wait3A_183, %dma_wait3A_184] : memref<20000x64xf32, #tpu.memory_space<hbm>> -> memref<128x64xf32, #tpu.memory_space<hbm>>
      tpu.wait_dma2 semaphore(%arg16 : memref<!tpu.dma_semaphore, #tpu.memory_space<semaphore_mem>>) src(%dma_wait3A_185 : memref<128x64xf32, #tpu.memory_space<hbm>>) dst(%dma_wait3A_182 : memref<128x64xf32, #tpu.memory_space<vmem>>)
      %mul3A_186 = arith.constant 5 : i32
      %mul3A_187 = arith.muli %scan3A_121, %mul3A_186 : i32
      %add3A_188 = arith.constant 1 : i32
      %add3A_189 = arith.addi %mul3A_187, %add3A_188 : i32
      %jit3A_190 = arith.constant 2 : i32
      %eq3A_191 = arith.constant 0 : i32
      %eq3A_192 = arith.cmpi eq, %jit3A_190, %eq3A_191 : i32
      %jit3A_193 = arith.constant 1 : i32
      %select_n3A_194 = arith.select %eq3A_192, %jit3A_193, %jit3A_190 : i32
      %rem3A_195 = arith.remsi %add3A_189, %select_n3A_194 : i32
      %ne3A_196 = arith.constant 0 : i32
      %ne3A_197 = arith.cmpi ne, %rem3A_195, %ne3A_196 : i32
      %lt3A_198 = arith.constant 0 : i32
      %lt3A_199 = arith.cmpi slt, %rem3A_195, %lt3A_198 : i32
      %lt3A_200 = arith.constant 0 : i32
      %lt3A_201 = arith.cmpi slt, %select_n3A_194, %lt3A_200 : i32
      %ne3A_202 = arith.xori %lt3A_199, %lt3A_201 : i1
      %and3A_203 = arith.andi %ne3A_202, %ne3A_197 : i1
      %add3A_204 = arith.addi %rem3A_195, %select_n3A_194 : i32
      %select_n3A_205 = arith.select %and3A_203, %add3A_204, %rem3A_195 : i32
      %eq3A_206 = arith.cmpi eq, %arg0, %select_n3A_205 : i32
      %convert_element_type3A_207 = arith.extui %eq3A_206 : i1 to i32
      %cond3A_208 = arith.constant 0 : i32
      %cond3A_209 = arith.cmpi ne, %convert_element_type3A_207, %cond3A_208 : i32
      scf.if %cond3A_209 {
        %dma_start3A_375 = arith.constant 0 : i32
        %dma_start3A_376 = tpu.memref_slice %arg12[%add3A_170, %dma_start3A_375] : memref<160x128xi32, #tpu.memory_space<vmem>> -> memref<1x128xi32, #tpu.memory_space<vmem>>
        %dma_start3A_377 = tpu.memref_squeeze %dma_start3A_376 : memref<1x128xi32, #tpu.memory_space<vmem>> -> memref<128xi32, #tpu.memory_space<vmem>>
        %dma_start3A_378 = arith.constant 0 : i32
        %dma_start3A_379 = tpu.memref_slice %arg22[%dma_start3A_378] : memref<10240xf32, #tpu.memory_space<vmem_shared>> -> memref<10240xf32, #tpu.memory_space<vmem_shared>>
        tpu.enqueue_indirect_dma source(%arg14 : memref<128xf32, #tpu.memory_space<vmem>>) target(%dma_start3A_379 : memref<10240xf32, #tpu.memory_space<vmem_shared>>) offsets(%dma_start3A_377 : memref<128xi32, #tpu.memory_space<vmem>>) semaphore(%arg20 : memref<!tpu.dma_semaphore, #tpu.memory_space<semaphore_mem>>) {add = true}
      } else {
      }
      %run_scoped3A_210 = arith.constant 1 : i32
      "tpu.region"() ({
        %run_scoped3A_375 = tpu.sem_alloc : memref<!tpu.dma_semaphore, #tpu.memory_space<semaphore_mem>>
        %dma_start3A_376 = arith.constant 0 : i32
        %dma_start3A_377 = arith.constant 0 : i32
        %dma_start3A_378 = tpu.memref_slice %arg13[%run_scoped3A_210, %dma_start3A_376, %dma_start3A_377] : memref<5x128x64xf32, #tpu.memory_space<vmem>> -> memref<1x128x64xf32, #tpu.memory_space<vmem>>
        %dma_start3A_379 = tpu.memref_squeeze %dma_start3A_378 : memref<1x128x64xf32, #tpu.memory_space<vmem>> -> memref<128x64xf32, #tpu.memory_space<vmem>>
        %dma_start3A_380 = arith.constant 0 : i32
        %dma_start3A_381 = tpu.memref_slice %arg12[%add3A_170, %dma_start3A_380] : memref<160x128xi32, #tpu.memory_space<vmem>> -> memref<1x128xi32, #tpu.memory_space<vmem>>
        %dma_start3A_382 = tpu.memref_squeeze %dma_start3A_381 : memref<1x128xi32, #tpu.memory_space<vmem>> -> memref<128xi32, #tpu.memory_space<vmem>>
        %dma_start3A_383 = arith.constant 0 : i32
        %dma_start3A_384 = arith.constant 0 : i32
        %dma_start3A_385 = tpu.memref_slice %arg21[%dma_start3A_383, %dma_start3A_384] : memref<10240x64xf32, #tpu.memory_space<vmem_shared>> -> memref<10240x64xf32, #tpu.memory_space<vmem_shared>>
        tpu.enqueue_indirect_dma source(%dma_start3A_379 : memref<128x64xf32, #tpu.memory_space<vmem>>) target(%dma_start3A_385 : memref<10240x64xf32, #tpu.memory_space<vmem_shared>>) offsets(%dma_start3A_382 : memref<128xi32, #tpu.memory_space<vmem>>) semaphore(%run_scoped3A_375 : memref<!tpu.dma_semaphore, #tpu.memory_space<semaphore_mem>>) {add = true}
        %dma_wait3A_386 = arith.constant 0 : i32
        %dma_wait3A_387 = arith.constant 0 : i32
        %dma_wait3A_388 = tpu.memref_slice %arg13[%run_scoped3A_210, %dma_wait3A_386, %dma_wait3A_387] : memref<5x128x64xf32, #tpu.memory_space<vmem>> -> memref<1x128x64xf32, #tpu.memory_space<vmem>>
        %dma_wait3A_389 = tpu.memref_squeeze %dma_wait3A_388 : memref<1x128x64xf32, #tpu.memory_space<vmem>> -> memref<128x64xf32, #tpu.memory_space<vmem>>
        %dma_wait3A_390 = arith.constant 0 : i32
        %dma_wait3A_391 = tpu.memref_slice %arg12[%add3A_170, %dma_wait3A_390] : memref<160x128xi32, #tpu.memory_space<vmem>> -> memref<1x128xi32, #tpu.memory_space<vmem>>
        %dma_wait3A_392 = tpu.memref_squeeze %dma_wait3A_391 : memref<1x128xi32, #tpu.memory_space<vmem>> -> memref<128xi32, #tpu.memory_space<vmem>>
        %dma_wait3A_393 = arith.constant 0 : i32
        %dma_wait3A_394 = arith.constant 0 : i32
        %dma_wait3A_395 = tpu.memref_slice %arg21[%dma_wait3A_393, %dma_wait3A_394] : memref<10240x64xf32, #tpu.memory_space<vmem_shared>> -> memref<10240x64xf32, #tpu.memory_space<vmem_shared>>
        tpu.wait_indirect_dma semaphore(%run_scoped3A_375 : memref<!tpu.dma_semaphore, #tpu.memory_space<semaphore_mem>>) src(%dma_wait3A_389 : memref<128x64xf32, #tpu.memory_space<vmem>>) dst(%dma_wait3A_395 : memref<10240x64xf32, #tpu.memory_space<vmem_shared>>)
        tpu.yield
      }) : () -> ()
      %add3A_211 = arith.constant 5 : i32
      %add3A_212 = arith.addi %add3A_170, %add3A_211 : i32
      %lt3A_213 = arith.constant 160 : i32
      %lt3A_214 = arith.cmpi slt, %add3A_212, %lt3A_213 : i32
      %convert_element_type3A_215 = arith.extui %lt3A_214 : i1 to i32
      %cond3A_216 = arith.constant 1 : i32
      %cond3A_217 = arith.constant 0 : i32
      %cond3A_218 = arith.cmpi ne, %convert_element_type3A_215, %cond3A_217 : i32
      scf.if %cond3A_218 {
        %add3A_375 = arith.constant 5 : i32
        %add3A_376 = arith.addi %add3A_170, %add3A_375 : i32
        %dma_start3A_377 = arith.constant 0 : i32
        %dma_start3A_378 = arith.constant 0 : i32
        %dma_start3A_379 = tpu.memref_slice %arg13[%cond3A_216, %dma_start3A_377, %dma_start3A_378] : memref<5x128x64xf32, #tpu.memory_space<vmem>> -> memref<1x128x64xf32, #tpu.memory_space<vmem>>
        %dma_start3A_380 = tpu.memref_squeeze %dma_start3A_379 : memref<1x128x64xf32, #tpu.memory_space<vmem>> -> memref<128x64xf32, #tpu.memory_space<vmem>>
        %dma_start3A_381 = arith.constant 0 : i32
        %dma_start3A_382 = tpu.memref_slice %arg11[%add3A_376, %dma_start3A_381] : memref<160x128xi32, #tpu.memory_space<vmem>> -> memref<1x128xi32, #tpu.memory_space<vmem>>
        %dma_start3A_383 = tpu.memref_squeeze %dma_start3A_382 : memref<1x128xi32, #tpu.memory_space<vmem>> -> memref<128xi32, #tpu.memory_space<vmem>>
        %dma_start3A_384 = arith.constant 0 : i32
        %dma_start3A_385 = arith.constant 0 : i32
        %dma_start3A_386 = tpu.memref_slice %arg2[%dma_start3A_384, %dma_start3A_385] : memref<20000x64xf32, #tpu.memory_space<hbm>> -> memref<20000x64xf32, #tpu.memory_space<hbm>>
        tpu.enqueue_indirect_dma source(%dma_start3A_386 : memref<20000x64xf32, #tpu.memory_space<hbm>>) target(%dma_start3A_380 : memref<128x64xf32, #tpu.memory_space<vmem>>) offsets(%dma_start3A_383 : memref<128xi32, #tpu.memory_space<vmem>>) semaphore(%arg16 : memref<!tpu.dma_semaphore, #tpu.memory_space<semaphore_mem>>)
      } else {
      }
      %mul3A_219 = arith.constant 5 : i32
      %mul3A_220 = arith.muli %scan3A_121, %mul3A_219 : i32
      %add3A_221 = arith.constant 2 : i32
      %add3A_222 = arith.addi %mul3A_220, %add3A_221 : i32
      %dma_wait3A_223 = arith.constant 2 : i32
      %dma_wait3A_224 = arith.constant 0 : i32
      %dma_wait3A_225 = arith.constant 0 : i32
      %dma_wait3A_226 = tpu.memref_slice %arg13[%dma_wait3A_223, %dma_wait3A_224, %dma_wait3A_225] : memref<5x128x64xf32, #tpu.memory_space<vmem>> -> memref<1x128x64xf32, #tpu.memory_space<vmem>>
      %dma_wait3A_227 = tpu.memref_squeeze %dma_wait3A_226 : memref<1x128x64xf32, #tpu.memory_space<vmem>> -> memref<128x64xf32, #tpu.memory_space<vmem>>
      %dma_wait3A_228 = arith.constant 0 : i32
      %dma_wait3A_229 = arith.constant 0 : i32
      %dma_wait3A_230 = tpu.memref_slice %arg2[%dma_wait3A_228, %dma_wait3A_229] : memref<20000x64xf32, #tpu.memory_space<hbm>> -> memref<128x64xf32, #tpu.memory_space<hbm>>
      %dma_wait3A_231 = arith.constant 0 : i32
      %dma_wait3A_232 = arith.constant 0 : i32
      %dma_wait3A_233 = tpu.memref_slice %arg13[%dma_wait3A_223, %dma_wait3A_231, %dma_wait3A_232] : memref<5x128x64xf32, #tpu.memory_space<vmem>> -> memref<1x128x64xf32, #tpu.memory_space<vmem>>
      %dma_wait3A_234 = tpu.memref_squeeze %dma_wait3A_233 : memref<1x128x64xf32, #tpu.memory_space<vmem>> -> memref<128x64xf32, #tpu.memory_space<vmem>>
      %dma_wait3A_235 = arith.constant 0 : i32
      %dma_wait3A_236 = arith.constant 0 : i32
      %dma_wait3A_237 = tpu.memref_slice %arg2[%dma_wait3A_235, %dma_wait3A_236] : memref<20000x64xf32, #tpu.memory_space<hbm>> -> memref<128x64xf32, #tpu.memory_space<hbm>>
      tpu.wait_dma2 semaphore(%arg17 : memref<!tpu.dma_semaphore, #tpu.memory_space<semaphore_mem>>) src(%dma_wait3A_237 : memref<128x64xf32, #tpu.memory_space<hbm>>) dst(%dma_wait3A_234 : memref<128x64xf32, #tpu.memory_space<vmem>>)
      %mul3A_238 = arith.constant 5 : i32
      %mul3A_239 = arith.muli %scan3A_121, %mul3A_238 : i32
      %add3A_240 = arith.constant 2 : i32
      %add3A_241 = arith.addi %mul3A_239, %add3A_240 : i32
      %jit3A_242 = arith.constant 2 : i32
      %eq3A_243 = arith.constant 0 : i32
      %eq3A_244 = arith.cmpi eq, %jit3A_242, %eq3A_243 : i32
      %jit3A_245 = arith.constant 1 : i32
      %select_n3A_246 = arith.select %eq3A_244, %jit3A_245, %jit3A_242 : i32
      %rem3A_247 = arith.remsi %add3A_241, %select_n3A_246 : i32
      %ne3A_248 = arith.constant 0 : i32
      %ne3A_249 = arith.cmpi ne, %rem3A_247, %ne3A_248 : i32
      %lt3A_250 = arith.constant 0 : i32
      %lt3A_251 = arith.cmpi slt, %rem3A_247, %lt3A_250 : i32
      %lt3A_252 = arith.constant 0 : i32
      %lt3A_253 = arith.cmpi slt, %select_n3A_246, %lt3A_252 : i32
      %ne3A_254 = arith.xori %lt3A_251, %lt3A_253 : i1
      %and3A_255 = arith.andi %ne3A_254, %ne3A_249 : i1
      %add3A_256 = arith.addi %rem3A_247, %select_n3A_246 : i32
      %select_n3A_257 = arith.select %and3A_255, %add3A_256, %rem3A_247 : i32
      %eq3A_258 = arith.cmpi eq, %arg0, %select_n3A_257 : i32
      %convert_element_type3A_259 = arith.extui %eq3A_258 : i1 to i32
      %cond3A_260 = arith.constant 0 : i32
      %cond3A_261 = arith.cmpi ne, %convert_element_type3A_259, %cond3A_260 : i32
      scf.if %cond3A_261 {
        %dma_start3A_375 = arith.constant 0 : i32
        %dma_start3A_376 = tpu.memref_slice %arg12[%add3A_222, %dma_start3A_375] : memref<160x128xi32, #tpu.memory_space<vmem>> -> memref<1x128xi32, #tpu.memory_space<vmem>>
        %dma_start3A_377 = tpu.memref_squeeze %dma_start3A_376 : memref<1x128xi32, #tpu.memory_space<vmem>> -> memref<128xi32, #tpu.memory_space<vmem>>
        %dma_start3A_378 = arith.constant 0 : i32
        %dma_start3A_379 = tpu.memref_slice %arg22[%dma_start3A_378] : memref<10240xf32, #tpu.memory_space<vmem_shared>> -> memref<10240xf32, #tpu.memory_space<vmem_shared>>
        tpu.enqueue_indirect_dma source(%arg14 : memref<128xf32, #tpu.memory_space<vmem>>) target(%dma_start3A_379 : memref<10240xf32, #tpu.memory_space<vmem_shared>>) offsets(%dma_start3A_377 : memref<128xi32, #tpu.memory_space<vmem>>) semaphore(%arg20 : memref<!tpu.dma_semaphore, #tpu.memory_space<semaphore_mem>>) {add = true}
      } else {
      }
      %run_scoped3A_262 = arith.constant 2 : i32
      "tpu.region"() ({
        %run_scoped3A_375 = tpu.sem_alloc : memref<!tpu.dma_semaphore, #tpu.memory_space<semaphore_mem>>
        %dma_start3A_376 = arith.constant 0 : i32
        %dma_start3A_377 = arith.constant 0 : i32
        %dma_start3A_378 = tpu.memref_slice %arg13[%run_scoped3A_262, %dma_start3A_376, %dma_start3A_377] : memref<5x128x64xf32, #tpu.memory_space<vmem>> -> memref<1x128x64xf32, #tpu.memory_space<vmem>>
        %dma_start3A_379 = tpu.memref_squeeze %dma_start3A_378 : memref<1x128x64xf32, #tpu.memory_space<vmem>> -> memref<128x64xf32, #tpu.memory_space<vmem>>
        %dma_start3A_380 = arith.constant 0 : i32
        %dma_start3A_381 = tpu.memref_slice %arg12[%add3A_222, %dma_start3A_380] : memref<160x128xi32, #tpu.memory_space<vmem>> -> memref<1x128xi32, #tpu.memory_space<vmem>>
        %dma_start3A_382 = tpu.memref_squeeze %dma_start3A_381 : memref<1x128xi32, #tpu.memory_space<vmem>> -> memref<128xi32, #tpu.memory_space<vmem>>
        %dma_start3A_383 = arith.constant 0 : i32
        %dma_start3A_384 = arith.constant 0 : i32
        %dma_start3A_385 = tpu.memref_slice %arg21[%dma_start3A_383, %dma_start3A_384] : memref<10240x64xf32, #tpu.memory_space<vmem_shared>> -> memref<10240x64xf32, #tpu.memory_space<vmem_shared>>
        tpu.enqueue_indirect_dma source(%dma_start3A_379 : memref<128x64xf32, #tpu.memory_space<vmem>>) target(%dma_start3A_385 : memref<10240x64xf32, #tpu.memory_space<vmem_shared>>) offsets(%dma_start3A_382 : memref<128xi32, #tpu.memory_space<vmem>>) semaphore(%run_scoped3A_375 : memref<!tpu.dma_semaphore, #tpu.memory_space<semaphore_mem>>) {add = true}
        %dma_wait3A_386 = arith.constant 0 : i32
        %dma_wait3A_387 = arith.constant 0 : i32
        %dma_wait3A_388 = tpu.memref_slice %arg13[%run_scoped3A_262, %dma_wait3A_386, %dma_wait3A_387] : memref<5x128x64xf32, #tpu.memory_space<vmem>> -> memref<1x128x64xf32, #tpu.memory_space<vmem>>
        %dma_wait3A_389 = tpu.memref_squeeze %dma_wait3A_388 : memref<1x128x64xf32, #tpu.memory_space<vmem>> -> memref<128x64xf32, #tpu.memory_space<vmem>>
        %dma_wait3A_390 = arith.constant 0 : i32
        %dma_wait3A_391 = tpu.memref_slice %arg12[%add3A_222, %dma_wait3A_390] : memref<160x128xi32, #tpu.memory_space<vmem>> -> memref<1x128xi32, #tpu.memory_space<vmem>>
        %dma_wait3A_392 = tpu.memref_squeeze %dma_wait3A_391 : memref<1x128xi32, #tpu.memory_space<vmem>> -> memref<128xi32, #tpu.memory_space<vmem>>
        %dma_wait3A_393 = arith.constant 0 : i32
        %dma_wait3A_394 = arith.constant 0 : i32
        %dma_wait3A_395 = tpu.memref_slice %arg21[%dma_wait3A_393, %dma_wait3A_394] : memref<10240x64xf32, #tpu.memory_space<vmem_shared>> -> memref<10240x64xf32, #tpu.memory_space<vmem_shared>>
        tpu.wait_indirect_dma semaphore(%run_scoped3A_375 : memref<!tpu.dma_semaphore, #tpu.memory_space<semaphore_mem>>) src(%dma_wait3A_389 : memref<128x64xf32, #tpu.memory_space<vmem>>) dst(%dma_wait3A_395 : memref<10240x64xf32, #tpu.memory_space<vmem_shared>>)
        tpu.yield
      }) : () -> ()
      %add3A_263 = arith.constant 5 : i32
      %add3A_264 = arith.addi %add3A_222, %add3A_263 : i32
      %lt3A_265 = arith.constant 160 : i32
      %lt3A_266 = arith.cmpi slt, %add3A_264, %lt3A_265 : i32
      %convert_element_type3A_267 = arith.extui %lt3A_266 : i1 to i32
      %cond3A_268 = arith.constant 2 : i32
      %cond3A_269 = arith.constant 0 : i32
      %cond3A_270 = arith.cmpi ne, %convert_element_type3A_267, %cond3A_269 : i32
      scf.if %cond3A_270 {
        %add3A_375 = arith.constant 5 : i32
        %add3A_376 = arith.addi %add3A_222, %add3A_375 : i32
        %dma_start3A_377 = arith.constant 0 : i32
        %dma_start3A_378 = arith.constant 0 : i32
        %dma_start3A_379 = tpu.memref_slice %arg13[%cond3A_268, %dma_start3A_377, %dma_start3A_378] : memref<5x128x64xf32, #tpu.memory_space<vmem>> -> memref<1x128x64xf32, #tpu.memory_space<vmem>>
        %dma_start3A_380 = tpu.memref_squeeze %dma_start3A_379 : memref<1x128x64xf32, #tpu.memory_space<vmem>> -> memref<128x64xf32, #tpu.memory_space<vmem>>
        %dma_start3A_381 = arith.constant 0 : i32
        %dma_start3A_382 = tpu.memref_slice %arg11[%add3A_376, %dma_start3A_381] : memref<160x128xi32, #tpu.memory_space<vmem>> -> memref<1x128xi32, #tpu.memory_space<vmem>>
        %dma_start3A_383 = tpu.memref_squeeze %dma_start3A_382 : memref<1x128xi32, #tpu.memory_space<vmem>> -> memref<128xi32, #tpu.memory_space<vmem>>
        %dma_start3A_384 = arith.constant 0 : i32
        %dma_start3A_385 = arith.constant 0 : i32
        %dma_start3A_386 = tpu.memref_slice %arg2[%dma_start3A_384, %dma_start3A_385] : memref<20000x64xf32, #tpu.memory_space<hbm>> -> memref<20000x64xf32, #tpu.memory_space<hbm>>
        tpu.enqueue_indirect_dma source(%dma_start3A_386 : memref<20000x64xf32, #tpu.memory_space<hbm>>) target(%dma_start3A_380 : memref<128x64xf32, #tpu.memory_space<vmem>>) offsets(%dma_start3A_383 : memref<128xi32, #tpu.memory_space<vmem>>) semaphore(%arg17 : memref<!tpu.dma_semaphore, #tpu.memory_space<semaphore_mem>>)
      } else {
      }
      %mul3A_271 = arith.constant 5 : i32
      %mul3A_272 = arith.muli %scan3A_121, %mul3A_271 : i32
      %add3A_273 = arith.constant 3 : i32
      %add3A_274 = arith.addi %mul3A_272, %add3A_273 : i32
      %dma_wait3A_275 = arith.constant 3 : i32
      %dma_wait3A_276 = arith.constant 0 : i32
      %dma_wait3A_277 = arith.constant 0 : i32
      %dma_wait3A_278 = tpu.memref_slice %arg13[%dma_wait3A_275, %dma_wait3A_276, %dma_wait3A_277] : memref<5x128x64xf32, #tpu.memory_space<vmem>> -> memref<1x128x64xf32, #tpu.memory_space<vmem>>
      %dma_wait3A_279 = tpu.memref_squeeze %dma_wait3A_278 : memref<1x128x64xf32, #tpu.memory_space<vmem>> -> memref<128x64xf32, #tpu.memory_space<vmem>>
      %dma_wait3A_280 = arith.constant 0 : i32
      %dma_wait3A_281 = arith.constant 0 : i32
      %dma_wait3A_282 = tpu.memref_slice %arg2[%dma_wait3A_280, %dma_wait3A_281] : memref<20000x64xf32, #tpu.memory_space<hbm>> -> memref<128x64xf32, #tpu.memory_space<hbm>>
      %dma_wait3A_283 = arith.constant 0 : i32
      %dma_wait3A_284 = arith.constant 0 : i32
      %dma_wait3A_285 = tpu.memref_slice %arg13[%dma_wait3A_275, %dma_wait3A_283, %dma_wait3A_284] : memref<5x128x64xf32, #tpu.memory_space<vmem>> -> memref<1x128x64xf32, #tpu.memory_space<vmem>>
      %dma_wait3A_286 = tpu.memref_squeeze %dma_wait3A_285 : memref<1x128x64xf32, #tpu.memory_space<vmem>> -> memref<128x64xf32, #tpu.memory_space<vmem>>
      %dma_wait3A_287 = arith.constant 0 : i32
      %dma_wait3A_288 = arith.constant 0 : i32
      %dma_wait3A_289 = tpu.memref_slice %arg2[%dma_wait3A_287, %dma_wait3A_288] : memref<20000x64xf32, #tpu.memory_space<hbm>> -> memref<128x64xf32, #tpu.memory_space<hbm>>
      tpu.wait_dma2 semaphore(%arg18 : memref<!tpu.dma_semaphore, #tpu.memory_space<semaphore_mem>>) src(%dma_wait3A_289 : memref<128x64xf32, #tpu.memory_space<hbm>>) dst(%dma_wait3A_286 : memref<128x64xf32, #tpu.memory_space<vmem>>)
      %mul3A_290 = arith.constant 5 : i32
      %mul3A_291 = arith.muli %scan3A_121, %mul3A_290 : i32
      %add3A_292 = arith.constant 3 : i32
      %add3A_293 = arith.addi %mul3A_291, %add3A_292 : i32
      %jit3A_294 = arith.constant 2 : i32
      %eq3A_295 = arith.constant 0 : i32
      %eq3A_296 = arith.cmpi eq, %jit3A_294, %eq3A_295 : i32
      %jit3A_297 = arith.constant 1 : i32
      %select_n3A_298 = arith.select %eq3A_296, %jit3A_297, %jit3A_294 : i32
      %rem3A_299 = arith.remsi %add3A_293, %select_n3A_298 : i32
      %ne3A_300 = arith.constant 0 : i32
      %ne3A_301 = arith.cmpi ne, %rem3A_299, %ne3A_300 : i32
      %lt3A_302 = arith.constant 0 : i32
      %lt3A_303 = arith.cmpi slt, %rem3A_299, %lt3A_302 : i32
      %lt3A_304 = arith.constant 0 : i32
      %lt3A_305 = arith.cmpi slt, %select_n3A_298, %lt3A_304 : i32
      %ne3A_306 = arith.xori %lt3A_303, %lt3A_305 : i1
      %and3A_307 = arith.andi %ne3A_306, %ne3A_301 : i1
      %add3A_308 = arith.addi %rem3A_299, %select_n3A_298 : i32
      %select_n3A_309 = arith.select %and3A_307, %add3A_308, %rem3A_299 : i32
      %eq3A_310 = arith.cmpi eq, %arg0, %select_n3A_309 : i32
      %convert_element_type3A_311 = arith.extui %eq3A_310 : i1 to i32
      %cond3A_312 = arith.constant 0 : i32
      %cond3A_313 = arith.cmpi ne, %convert_element_type3A_311, %cond3A_312 : i32
      scf.if %cond3A_313 {
        %dma_start3A_375 = arith.constant 0 : i32
        %dma_start3A_376 = tpu.memref_slice %arg12[%add3A_274, %dma_start3A_375] : memref<160x128xi32, #tpu.memory_space<vmem>> -> memref<1x128xi32, #tpu.memory_space<vmem>>
        %dma_start3A_377 = tpu.memref_squeeze %dma_start3A_376 : memref<1x128xi32, #tpu.memory_space<vmem>> -> memref<128xi32, #tpu.memory_space<vmem>>
        %dma_start3A_378 = arith.constant 0 : i32
        %dma_start3A_379 = tpu.memref_slice %arg22[%dma_start3A_378] : memref<10240xf32, #tpu.memory_space<vmem_shared>> -> memref<10240xf32, #tpu.memory_space<vmem_shared>>
        tpu.enqueue_indirect_dma source(%arg14 : memref<128xf32, #tpu.memory_space<vmem>>) target(%dma_start3A_379 : memref<10240xf32, #tpu.memory_space<vmem_shared>>) offsets(%dma_start3A_377 : memref<128xi32, #tpu.memory_space<vmem>>) semaphore(%arg20 : memref<!tpu.dma_semaphore, #tpu.memory_space<semaphore_mem>>) {add = true}
      } else {
      }
      %run_scoped3A_314 = arith.constant 3 : i32
      "tpu.region"() ({
        %run_scoped3A_375 = tpu.sem_alloc : memref<!tpu.dma_semaphore, #tpu.memory_space<semaphore_mem>>
        %dma_start3A_376 = arith.constant 0 : i32
        %dma_start3A_377 = arith.constant 0 : i32
        %dma_start3A_378 = tpu.memref_slice %arg13[%run_scoped3A_314, %dma_start3A_376, %dma_start3A_377] : memref<5x128x64xf32, #tpu.memory_space<vmem>> -> memref<1x128x64xf32, #tpu.memory_space<vmem>>
        %dma_start3A_379 = tpu.memref_squeeze %dma_start3A_378 : memref<1x128x64xf32, #tpu.memory_space<vmem>> -> memref<128x64xf32, #tpu.memory_space<vmem>>
        %dma_start3A_380 = arith.constant 0 : i32
        %dma_start3A_381 = tpu.memref_slice %arg12[%add3A_274, %dma_start3A_380] : memref<160x128xi32, #tpu.memory_space<vmem>> -> memref<1x128xi32, #tpu.memory_space<vmem>>
        %dma_start3A_382 = tpu.memref_squeeze %dma_start3A_381 : memref<1x128xi32, #tpu.memory_space<vmem>> -> memref<128xi32, #tpu.memory_space<vmem>>
        %dma_start3A_383 = arith.constant 0 : i32
        %dma_start3A_384 = arith.constant 0 : i32
        %dma_start3A_385 = tpu.memref_slice %arg21[%dma_start3A_383, %dma_start3A_384] : memref<10240x64xf32, #tpu.memory_space<vmem_shared>> -> memref<10240x64xf32, #tpu.memory_space<vmem_shared>>
        tpu.enqueue_indirect_dma source(%dma_start3A_379 : memref<128x64xf32, #tpu.memory_space<vmem>>) target(%dma_start3A_385 : memref<10240x64xf32, #tpu.memory_space<vmem_shared>>) offsets(%dma_start3A_382 : memref<128xi32, #tpu.memory_space<vmem>>) semaphore(%run_scoped3A_375 : memref<!tpu.dma_semaphore, #tpu.memory_space<semaphore_mem>>) {add = true}
        %dma_wait3A_386 = arith.constant 0 : i32
        %dma_wait3A_387 = arith.constant 0 : i32
        %dma_wait3A_388 = tpu.memref_slice %arg13[%run_scoped3A_314, %dma_wait3A_386, %dma_wait3A_387] : memref<5x128x64xf32, #tpu.memory_space<vmem>> -> memref<1x128x64xf32, #tpu.memory_space<vmem>>
        %dma_wait3A_389 = tpu.memref_squeeze %dma_wait3A_388 : memref<1x128x64xf32, #tpu.memory_space<vmem>> -> memref<128x64xf32, #tpu.memory_space<vmem>>
        %dma_wait3A_390 = arith.constant 0 : i32
        %dma_wait3A_391 = tpu.memref_slice %arg12[%add3A_274, %dma_wait3A_390] : memref<160x128xi32, #tpu.memory_space<vmem>> -> memref<1x128xi32, #tpu.memory_space<vmem>>
        %dma_wait3A_392 = tpu.memref_squeeze %dma_wait3A_391 : memref<1x128xi32, #tpu.memory_space<vmem>> -> memref<128xi32, #tpu.memory_space<vmem>>
        %dma_wait3A_393 = arith.constant 0 : i32
        %dma_wait3A_394 = arith.constant 0 : i32
        %dma_wait3A_395 = tpu.memref_slice %arg21[%dma_wait3A_393, %dma_wait3A_394] : memref<10240x64xf32, #tpu.memory_space<vmem_shared>> -> memref<10240x64xf32, #tpu.memory_space<vmem_shared>>
        tpu.wait_indirect_dma semaphore(%run_scoped3A_375 : memref<!tpu.dma_semaphore, #tpu.memory_space<semaphore_mem>>) src(%dma_wait3A_389 : memref<128x64xf32, #tpu.memory_space<vmem>>) dst(%dma_wait3A_395 : memref<10240x64xf32, #tpu.memory_space<vmem_shared>>)
        tpu.yield
      }) : () -> ()
      %add3A_315 = arith.constant 5 : i32
      %add3A_316 = arith.addi %add3A_274, %add3A_315 : i32
      %lt3A_317 = arith.constant 160 : i32
      %lt3A_318 = arith.cmpi slt, %add3A_316, %lt3A_317 : i32
      %convert_element_type3A_319 = arith.extui %lt3A_318 : i1 to i32
      %cond3A_320 = arith.constant 3 : i32
      %cond3A_321 = arith.constant 0 : i32
      %cond3A_322 = arith.cmpi ne, %convert_element_type3A_319, %cond3A_321 : i32
      scf.if %cond3A_322 {
        %add3A_375 = arith.constant 5 : i32
        %add3A_376 = arith.addi %add3A_274, %add3A_375 : i32
        %dma_start3A_377 = arith.constant 0 : i32
        %dma_start3A_378 = arith.constant 0 : i32
        %dma_start3A_379 = tpu.memref_slice %arg13[%cond3A_320, %dma_start3A_377, %dma_start3A_378] : memref<5x128x64xf32, #tpu.memory_space<vmem>> -> memref<1x128x64xf32, #tpu.memory_space<vmem>>
        %dma_start3A_380 = tpu.memref_squeeze %dma_start3A_379 : memref<1x128x64xf32, #tpu.memory_space<vmem>> -> memref<128x64xf32, #tpu.memory_space<vmem>>
        %dma_start3A_381 = arith.constant 0 : i32
        %dma_start3A_382 = tpu.memref_slice %arg11[%add3A_376, %dma_start3A_381] : memref<160x128xi32, #tpu.memory_space<vmem>> -> memref<1x128xi32, #tpu.memory_space<vmem>>
        %dma_start3A_383 = tpu.memref_squeeze %dma_start3A_382 : memref<1x128xi32, #tpu.memory_space<vmem>> -> memref<128xi32, #tpu.memory_space<vmem>>
        %dma_start3A_384 = arith.constant 0 : i32
        %dma_start3A_385 = arith.constant 0 : i32
        %dma_start3A_386 = tpu.memref_slice %arg2[%dma_start3A_384, %dma_start3A_385] : memref<20000x64xf32, #tpu.memory_space<hbm>> -> memref<20000x64xf32, #tpu.memory_space<hbm>>
        tpu.enqueue_indirect_dma source(%dma_start3A_386 : memref<20000x64xf32, #tpu.memory_space<hbm>>) target(%dma_start3A_380 : memref<128x64xf32, #tpu.memory_space<vmem>>) offsets(%dma_start3A_383 : memref<128xi32, #tpu.memory_space<vmem>>) semaphore(%arg18 : memref<!tpu.dma_semaphore, #tpu.memory_space<semaphore_mem>>)
      } else {
      }
      %mul3A_323 = arith.constant 5 : i32
      %mul3A_324 = arith.muli %scan3A_121, %mul3A_323 : i32
      %add3A_325 = arith.constant 4 : i32
      %add3A_326 = arith.addi %mul3A_324, %add3A_325 : i32
      %dma_wait3A_327 = arith.constant 4 : i32
      %dma_wait3A_328 = arith.constant 0 : i32
      %dma_wait3A_329 = arith.constant 0 : i32
      %dma_wait3A_330 = tpu.memref_slice %arg13[%dma_wait3A_327, %dma_wait3A_328, %dma_wait3A_329] : memref<5x128x64xf32, #tpu.memory_space<vmem>> -> memref<1x128x64xf32, #tpu.memory_space<vmem>>
      %dma_wait3A_331 = tpu.memref_squeeze %dma_wait3A_330 : memref<1x128x64xf32, #tpu.memory_space<vmem>> -> memref<128x64xf32, #tpu.memory_space<vmem>>
      %dma_wait3A_332 = arith.constant 0 : i32
      %dma_wait3A_333 = arith.constant 0 : i32
      %dma_wait3A_334 = tpu.memref_slice %arg2[%dma_wait3A_332, %dma_wait3A_333] : memref<20000x64xf32, #tpu.memory_space<hbm>> -> memref<128x64xf32, #tpu.memory_space<hbm>>
      %dma_wait3A_335 = arith.constant 0 : i32
      %dma_wait3A_336 = arith.constant 0 : i32
      %dma_wait3A_337 = tpu.memref_slice %arg13[%dma_wait3A_327, %dma_wait3A_335, %dma_wait3A_336] : memref<5x128x64xf32, #tpu.memory_space<vmem>> -> memref<1x128x64xf32, #tpu.memory_space<vmem>>
      %dma_wait3A_338 = tpu.memref_squeeze %dma_wait3A_337 : memref<1x128x64xf32, #tpu.memory_space<vmem>> -> memref<128x64xf32, #tpu.memory_space<vmem>>
      %dma_wait3A_339 = arith.constant 0 : i32
      %dma_wait3A_340 = arith.constant 0 : i32
      %dma_wait3A_341 = tpu.memref_slice %arg2[%dma_wait3A_339, %dma_wait3A_340] : memref<20000x64xf32, #tpu.memory_space<hbm>> -> memref<128x64xf32, #tpu.memory_space<hbm>>
      tpu.wait_dma2 semaphore(%arg19 : memref<!tpu.dma_semaphore, #tpu.memory_space<semaphore_mem>>) src(%dma_wait3A_341 : memref<128x64xf32, #tpu.memory_space<hbm>>) dst(%dma_wait3A_338 : memref<128x64xf32, #tpu.memory_space<vmem>>)
      %mul3A_342 = arith.constant 5 : i32
      %mul3A_343 = arith.muli %scan3A_121, %mul3A_342 : i32
      %add3A_344 = arith.constant 4 : i32
      %add3A_345 = arith.addi %mul3A_343, %add3A_344 : i32
      %jit3A_346 = arith.constant 2 : i32
      %eq3A_347 = arith.constant 0 : i32
      %eq3A_348 = arith.cmpi eq, %jit3A_346, %eq3A_347 : i32
      %jit3A_349 = arith.constant 1 : i32
      %select_n3A_350 = arith.select %eq3A_348, %jit3A_349, %jit3A_346 : i32
      %rem3A_351 = arith.remsi %add3A_345, %select_n3A_350 : i32
      %ne3A_352 = arith.constant 0 : i32
      %ne3A_353 = arith.cmpi ne, %rem3A_351, %ne3A_352 : i32
      %lt3A_354 = arith.constant 0 : i32
      %lt3A_355 = arith.cmpi slt, %rem3A_351, %lt3A_354 : i32
      %lt3A_356 = arith.constant 0 : i32
      %lt3A_357 = arith.cmpi slt, %select_n3A_350, %lt3A_356 : i32
      %ne3A_358 = arith.xori %lt3A_355, %lt3A_357 : i1
      %and3A_359 = arith.andi %ne3A_358, %ne3A_353 : i1
      %add3A_360 = arith.addi %rem3A_351, %select_n3A_350 : i32
      %select_n3A_361 = arith.select %and3A_359, %add3A_360, %rem3A_351 : i32
      %eq3A_362 = arith.cmpi eq, %arg0, %select_n3A_361 : i32
      %convert_element_type3A_363 = arith.extui %eq3A_362 : i1 to i32
      %cond3A_364 = arith.constant 0 : i32
      %cond3A_365 = arith.cmpi ne, %convert_element_type3A_363, %cond3A_364 : i32
      scf.if %cond3A_365 {
        %dma_start3A_375 = arith.constant 0 : i32
        %dma_start3A_376 = tpu.memref_slice %arg12[%add3A_326, %dma_start3A_375] : memref<160x128xi32, #tpu.memory_space<vmem>> -> memref<1x128xi32, #tpu.memory_space<vmem>>
        %dma_start3A_377 = tpu.memref_squeeze %dma_start3A_376 : memref<1x128xi32, #tpu.memory_space<vmem>> -> memref<128xi32, #tpu.memory_space<vmem>>
        %dma_start3A_378 = arith.constant 0 : i32
        %dma_start3A_379 = tpu.memref_slice %arg22[%dma_start3A_378] : memref<10240xf32, #tpu.memory_space<vmem_shared>> -> memref<10240xf32, #tpu.memory_space<vmem_shared>>
        tpu.enqueue_indirect_dma source(%arg14 : memref<128xf32, #tpu.memory_space<vmem>>) target(%dma_start3A_379 : memref<10240xf32, #tpu.memory_space<vmem_shared>>) offsets(%dma_start3A_377 : memref<128xi32, #tpu.memory_space<vmem>>) semaphore(%arg20 : memref<!tpu.dma_semaphore, #tpu.memory_space<semaphore_mem>>) {add = true}
      } else {
      }
      %run_scoped3A_366 = arith.constant 4 : i32
      "tpu.region"() ({
        %run_scoped3A_375 = tpu.sem_alloc : memref<!tpu.dma_semaphore, #tpu.memory_space<semaphore_mem>>
        %dma_start3A_376 = arith.constant 0 : i32
        %dma_start3A_377 = arith.constant 0 : i32
        %dma_start3A_378 = tpu.memref_slice %arg13[%run_scoped3A_366, %dma_start3A_376, %dma_start3A_377] : memref<5x128x64xf32, #tpu.memory_space<vmem>> -> memref<1x128x64xf32, #tpu.memory_space<vmem>>
        %dma_start3A_379 = tpu.memref_squeeze %dma_start3A_378 : memref<1x128x64xf32, #tpu.memory_space<vmem>> -> memref<128x64xf32, #tpu.memory_space<vmem>>
        %dma_start3A_380 = arith.constant 0 : i32
        %dma_start3A_381 = tpu.memref_slice %arg12[%add3A_326, %dma_start3A_380] : memref<160x128xi32, #tpu.memory_space<vmem>> -> memref<1x128xi32, #tpu.memory_space<vmem>>
        %dma_start3A_382 = tpu.memref_squeeze %dma_start3A_381 : memref<1x128xi32, #tpu.memory_space<vmem>> -> memref<128xi32, #tpu.memory_space<vmem>>
        %dma_start3A_383 = arith.constant 0 : i32
        %dma_start3A_384 = arith.constant 0 : i32
        %dma_start3A_385 = tpu.memref_slice %arg21[%dma_start3A_383, %dma_start3A_384] : memref<10240x64xf32, #tpu.memory_space<vmem_shared>> -> memref<10240x64xf32, #tpu.memory_space<vmem_shared>>
        tpu.enqueue_indirect_dma source(%dma_start3A_379 : memref<128x64xf32, #tpu.memory_space<vmem>>) target(%dma_start3A_385 : memref<10240x64xf32, #tpu.memory_space<vmem_shared>>) offsets(%dma_start3A_382 : memref<128xi32, #tpu.memory_space<vmem>>) semaphore(%run_scoped3A_375 : memref<!tpu.dma_semaphore, #tpu.memory_space<semaphore_mem>>) {add = true}
        %dma_wait3A_386 = arith.constant 0 : i32
        %dma_wait3A_387 = arith.constant 0 : i32
        %dma_wait3A_388 = tpu.memref_slice %arg13[%run_scoped3A_366, %dma_wait3A_386, %dma_wait3A_387] : memref<5x128x64xf32, #tpu.memory_space<vmem>> -> memref<1x128x64xf32, #tpu.memory_space<vmem>>
        %dma_wait3A_389 = tpu.memref_squeeze %dma_wait3A_388 : memref<1x128x64xf32, #tpu.memory_space<vmem>> -> memref<128x64xf32, #tpu.memory_space<vmem>>
        %dma_wait3A_390 = arith.constant 0 : i32
        %dma_wait3A_391 = tpu.memref_slice %arg12[%add3A_326, %dma_wait3A_390] : memref<160x128xi32, #tpu.memory_space<vmem>> -> memref<1x128xi32, #tpu.memory_space<vmem>>
        %dma_wait3A_392 = tpu.memref_squeeze %dma_wait3A_391 : memref<1x128xi32, #tpu.memory_space<vmem>> -> memref<128xi32, #tpu.memory_space<vmem>>
        %dma_wait3A_393 = arith.constant 0 : i32
        %dma_wait3A_394 = arith.constant 0 : i32
        %dma_wait3A_395 = tpu.memref_slice %arg21[%dma_wait3A_393, %dma_wait3A_394] : memref<10240x64xf32, #tpu.memory_space<vmem_shared>> -> memref<10240x64xf32, #tpu.memory_space<vmem_shared>>
        tpu.wait_indirect_dma semaphore(%run_scoped3A_375 : memref<!tpu.dma_semaphore, #tpu.memory_space<semaphore_mem>>) src(%dma_wait3A_389 : memref<128x64xf32, #tpu.memory_space<vmem>>) dst(%dma_wait3A_395 : memref<10240x64xf32, #tpu.memory_space<vmem_shared>>)
        tpu.yield
      }) : () -> ()
      %add3A_367 = arith.constant 5 : i32
      %add3A_368 = arith.addi %add3A_326, %add3A_367 : i32
      %lt3A_369 = arith.constant 160 : i32
      %lt3A_370 = arith.cmpi slt, %add3A_368, %lt3A_369 : i32
      %convert_element_type3A_371 = arith.extui %lt3A_370 : i1 to i32
      %cond3A_372 = arith.constant 4 : i32
      %cond3A_373 = arith.constant 0 : i32
      %cond3A_374 = arith.cmpi ne, %convert_element_type3A_371, %cond3A_373 : i32
      scf.if %cond3A_374 {
        %add3A_375 = arith.constant 5 : i32
        %add3A_376 = arith.addi %add3A_326, %add3A_375 : i32
        %dma_start3A_377 = arith.constant 0 : i32
        %dma_start3A_378 = arith.constant 0 : i32
        %dma_start3A_379 = tpu.memref_slice %arg13[%cond3A_372, %dma_start3A_377, %dma_start3A_378] : memref<5x128x64xf32, #tpu.memory_space<vmem>> -> memref<1x128x64xf32, #tpu.memory_space<vmem>>
        %dma_start3A_380 = tpu.memref_squeeze %dma_start3A_379 : memref<1x128x64xf32, #tpu.memory_space<vmem>> -> memref<128x64xf32, #tpu.memory_space<vmem>>
        %dma_start3A_381 = arith.constant 0 : i32
        %dma_start3A_382 = tpu.memref_slice %arg11[%add3A_376, %dma_start3A_381] : memref<160x128xi32, #tpu.memory_space<vmem>> -> memref<1x128xi32, #tpu.memory_space<vmem>>
        %dma_start3A_383 = tpu.memref_squeeze %dma_start3A_382 : memref<1x128xi32, #tpu.memory_space<vmem>> -> memref<128xi32, #tpu.memory_space<vmem>>
        %dma_start3A_384 = arith.constant 0 : i32
        %dma_start3A_385 = arith.constant 0 : i32
        %dma_start3A_386 = tpu.memref_slice %arg2[%dma_start3A_384, %dma_start3A_385] : memref<20000x64xf32, #tpu.memory_space<hbm>> -> memref<20000x64xf32, #tpu.memory_space<hbm>>
        tpu.enqueue_indirect_dma source(%dma_start3A_386 : memref<20000x64xf32, #tpu.memory_space<hbm>>) target(%dma_start3A_380 : memref<128x64xf32, #tpu.memory_space<vmem>>) offsets(%dma_start3A_383 : memref<128xi32, #tpu.memory_space<vmem>>) semaphore(%arg19 : memref<!tpu.dma_semaphore, #tpu.memory_space<semaphore_mem>>)
      } else {
      }
    }
    %scan3A_98 = arith.constant 32 : i32
    %dma_wait3A = arith.constant 0 : i32
    %dma_wait3A_99 = arith.constant 0 : i32
    %dma_wait3A_100 = arith.constant 0 : i32
    %dma_wait3A_101 = tpu.memref_slice %arg11[%dma_wait3A_99, %dma_wait3A_100] : memref<160x128xi32, #tpu.memory_space<vmem>> -> memref<80x128xi32, #tpu.memory_space<vmem>>
    %dma_wait3A_102 = arith.constant 0 : i32
    %dma_wait3A_103 = arith.constant 0 : i32
    %dma_wait3A_104 = tpu.memref_slice %arg3[%dma_wait3A, %dma_wait3A_102, %dma_wait3A_103] : memref<32x160x128xi32, #tpu.memory_space<hbm>> -> memref<1x80x128xi32, #tpu.memory_space<hbm>>
    %dma_wait3A_105 = tpu.memref_squeeze %dma_wait3A_104 : memref<1x80x128xi32, #tpu.memory_space<hbm>> -> memref<80x128xi32, #tpu.memory_space<hbm>>
    %dma_wait3A_106 = arith.constant 0 : i32
    %dma_wait3A_107 = arith.constant 0 : i32
    %dma_wait3A_108 = tpu.memref_slice %arg11[%dma_wait3A_106, %dma_wait3A_107] : memref<160x128xi32, #tpu.memory_space<vmem>> -> memref<80x128xi32, #tpu.memory_space<vmem>>
    %dma_wait3A_109 = arith.constant 0 : i32
    %dma_wait3A_110 = arith.constant 0 : i32
    %dma_wait3A_111 = tpu.memref_slice %arg3[%dma_wait3A, %dma_wait3A_109, %dma_wait3A_110] : memref<32x160x128xi32, #tpu.memory_space<hbm>> -> memref<1x80x128xi32, #tpu.memory_space<hbm>>
    %dma_wait3A_112 = tpu.memref_squeeze %dma_wait3A_111 : memref<1x80x128xi32, #tpu.memory_space<hbm>> -> memref<80x128xi32, #tpu.memory_space<hbm>>
    tpu.wait_dma2 semaphore(%arg20 : memref<!tpu.dma_semaphore, #tpu.memory_space<semaphore_mem>>) src(%dma_wait3A_112 : memref<80x128xi32, #tpu.memory_space<hbm>>) dst(%dma_wait3A_108 : memref<80x128xi32, #tpu.memory_space<vmem>>)
    %barrier3A_113 = arith.constant 0 : index
    tpu.barrier barrier_id(%barrier3A_113)
    %eq3A = arith.constant 0 : i32
    %eq3A_114 = arith.cmpi eq, %arg0, %eq3A : i32
    %convert_element_type3A = arith.extui %eq3A_114 : i1 to i32
    %cond3A = arith.constant 0 : i32
    %cond3A_115 = arith.cmpi ne, %convert_element_type3A, %cond3A : i32
    scf.if %cond3A_115 {
      "tpu.region"() ({
        %run_scoped3A = tpu.sem_alloc : memref<!tpu.dma_semaphore, #tpu.memory_space<semaphore_mem>>
        %dma_start3A_121 = arith.constant 0 : i32
        %dma_start3A_122 = tpu.memref_slice %arg7[%mul3A_2, %dma_start3A_121] : memref<10240x64xf32, #tpu.memory_space<hbm>> -> memref<640x64xf32, #tpu.memory_space<hbm>>
        %dma_start3A_123 = arith.constant 0 : i32
        %dma_start3A_124 = tpu.memref_slice %arg21[%mul3A_2, %dma_start3A_123] : memref<10240x64xf32, #tpu.memory_space<vmem_shared>> -> memref<640x64xf32, #tpu.memory_space<vmem_shared>>
        tpu.enqueue_dma source(%dma_start3A_124 : memref<640x64xf32, #tpu.memory_space<vmem_shared>>) target(%dma_start3A_122 : memref<640x64xf32, #tpu.memory_space<hbm>>) target_semaphore(%run_scoped3A : memref<!tpu.dma_semaphore, #tpu.memory_space<semaphore_mem>>)
        %dma_wait3A_125 = arith.constant 0 : i32
        %dma_wait3A_126 = tpu.memref_slice %arg7[%mul3A_2, %dma_wait3A_125] : memref<10240x64xf32, #tpu.memory_space<hbm>> -> memref<640x64xf32, #tpu.memory_space<hbm>>
        %dma_wait3A_127 = arith.constant 0 : i32
        %dma_wait3A_128 = tpu.memref_slice %arg21[%mul3A_2, %dma_wait3A_127] : memref<10240x64xf32, #tpu.memory_space<vmem_shared>> -> memref<640x64xf32, #tpu.memory_space<vmem_shared>>
        tpu.wait_dma2 semaphore(%run_scoped3A : memref<!tpu.dma_semaphore, #tpu.memory_space<semaphore_mem>>) src(%dma_wait3A_128 : memref<640x64xf32, #tpu.memory_space<vmem_shared>>) dst(%dma_wait3A_126 : memref<640x64xf32, #tpu.memory_space<hbm>>)
        tpu.yield
      }) : () -> ()
      "tpu.region"() ({
        %run_scoped3A = tpu.sem_alloc : memref<!tpu.dma_semaphore, #tpu.memory_space<semaphore_mem>>
        %dma_start3A_121 = tpu.memref_slice %arg9[%mul3A_2] : memref<10240xf32, #tpu.memory_space<hbm>> -> memref<640xf32, #tpu.memory_space<hbm>>
        %dma_start3A_122 = tpu.memref_slice %arg22[%mul3A_2] : memref<10240xf32, #tpu.memory_space<vmem_shared>> -> memref<640xf32, #tpu.memory_space<vmem_shared>>
        tpu.enqueue_dma source(%dma_start3A_122 : memref<640xf32, #tpu.memory_space<vmem_shared>>) target(%dma_start3A_121 : memref<640xf32, #tpu.memory_space<hbm>>) target_semaphore(%run_scoped3A : memref<!tpu.dma_semaphore, #tpu.memory_space<semaphore_mem>>)
        %dma_wait3A_123 = tpu.memref_slice %arg9[%mul3A_2] : memref<10240xf32, #tpu.memory_space<hbm>> -> memref<640xf32, #tpu.memory_space<hbm>>
        %dma_wait3A_124 = tpu.memref_slice %arg22[%mul3A_2] : memref<10240xf32, #tpu.memory_space<vmem_shared>> -> memref<640xf32, #tpu.memory_space<vmem_shared>>
        tpu.wait_dma2 semaphore(%run_scoped3A : memref<!tpu.dma_semaphore, #tpu.memory_space<semaphore_mem>>) src(%dma_wait3A_124 : memref<640xf32, #tpu.memory_space<vmem_shared>>) dst(%dma_wait3A_123 : memref<640xf32, #tpu.memory_space<hbm>>)
        tpu.yield
      }) : () -> ()
    } else {
    }
    %eq3A_116 = arith.constant 1 : i32
    %eq3A_117 = arith.cmpi eq, %arg0, %eq3A_116 : i32
    %convert_element_type3A_118 = arith.extui %eq3A_117 : i1 to i32
    %cond3A_119 = arith.constant 0 : i32
    %cond3A_120 = arith.cmpi ne, %convert_element_type3A_118, %cond3A_119 : i32
    scf.if %cond3A_120 {
      "tpu.region"() ({
        %run_scoped3A = tpu.sem_alloc : memref<!tpu.dma_semaphore, #tpu.memory_space<semaphore_mem>>
        %dma_start3A_121 = arith.constant 0 : i32
        %dma_start3A_122 = tpu.memref_slice %arg8[%mul3A_2, %dma_start3A_121] : memref<10240x64xf32, #tpu.memory_space<hbm>> -> memref<640x64xf32, #tpu.memory_space<hbm>>
        %dma_start3A_123 = arith.constant 0 : i32
        %dma_start3A_124 = tpu.memref_slice %arg21[%mul3A_2, %dma_start3A_123] : memref<10240x64xf32, #tpu.memory_space<vmem_shared>> -> memref<640x64xf32, #tpu.memory_space<vmem_shared>>
        tpu.enqueue_dma source(%dma_start3A_124 : memref<640x64xf32, #tpu.memory_space<vmem_shared>>) target(%dma_start3A_122 : memref<640x64xf32, #tpu.memory_space<hbm>>) target_semaphore(%run_scoped3A : memref<!tpu.dma_semaphore, #tpu.memory_space<semaphore_mem>>)
        %dma_wait3A_125 = arith.constant 0 : i32
        %dma_wait3A_126 = tpu.memref_slice %arg8[%mul3A_2, %dma_wait3A_125] : memref<10240x64xf32, #tpu.memory_space<hbm>> -> memref<640x64xf32, #tpu.memory_space<hbm>>
        %dma_wait3A_127 = arith.constant 0 : i32
        %dma_wait3A_128 = tpu.memref_slice %arg21[%mul3A_2, %dma_wait3A_127] : memref<10240x64xf32, #tpu.memory_space<vmem_shared>> -> memref<640x64xf32, #tpu.memory_space<vmem_shared>>
        tpu.wait_dma2 semaphore(%run_scoped3A : memref<!tpu.dma_semaphore, #tpu.memory_space<semaphore_mem>>) src(%dma_wait3A_128 : memref<640x64xf32, #tpu.memory_space<vmem_shared>>) dst(%dma_wait3A_126 : memref<640x64xf32, #tpu.memory_space<hbm>>)
        tpu.yield
      }) : () -> ()
      "tpu.region"() ({
        %run_scoped3A = tpu.sem_alloc : memref<!tpu.dma_semaphore, #tpu.memory_space<semaphore_mem>>
        %dma_start3A_121 = tpu.memref_slice %arg10[%mul3A_2] : memref<10240xf32, #tpu.memory_space<hbm>> -> memref<640xf32, #tpu.memory_space<hbm>>
        %dma_start3A_122 = tpu.memref_slice %arg22[%mul3A_2] : memref<10240xf32, #tpu.memory_space<vmem_shared>> -> memref<640xf32, #tpu.memory_space<vmem_shared>>
        tpu.enqueue_dma source(%dma_start3A_122 : memref<640xf32, #tpu.memory_space<vmem_shared>>) target(%dma_start3A_121 : memref<640xf32, #tpu.memory_space<hbm>>) target_semaphore(%run_scoped3A : memref<!tpu.dma_semaphore, #tpu.memory_space<semaphore_mem>>)
        %dma_wait3A_123 = tpu.memref_slice %arg10[%mul3A_2] : memref<10240xf32, #tpu.memory_space<hbm>> -> memref<640xf32, #tpu.memory_space<hbm>>
        %dma_wait3A_124 = tpu.memref_slice %arg22[%mul3A_2] : memref<10240xf32, #tpu.memory_space<vmem_shared>> -> memref<640xf32, #tpu.memory_space<vmem_shared>>
        tpu.wait_dma2 semaphore(%run_scoped3A : memref<!tpu.dma_semaphore, #tpu.memory_space<semaphore_mem>>) src(%dma_wait3A_124 : memref<640xf32, #tpu.memory_space<vmem_shared>>) dst(%dma_wait3A_123 : memref<640xf32, #tpu.memory_space<hbm>>)
        tpu.yield
      }) : () -> ()
    } else {
    }
    return
  }
}

module attributes {stable_mosaic.version = 14 : i64} {
  func.func @_tc_self_body(%arg0: i32, %arg1: memref<2000x128xf32, #tpu.memory_space<vmem>>, %arg2: memref<128x128xf32, #tpu.memory_space<vmem>>, %arg3: memref<2000x128xf32, #tpu.memory_space<vmem>>) attributes {dimension_semantics = [#tpu.dimension_semantics<arbitrary>], iteration_bounds = array<i64: 5>, scalar_prefetch = 0 : i64, scratch_operands = 0 : i64, tpu.core_type = #tpu.core_type<tc>, window_params = [{transform_indices = @transform_0, window_bounds = array<i64: 2000, 128>}, {pipeline_mode = #tpu.pipeline_mode<synchronous>, transform_indices = @transform_1, window_bounds = array<i64: 128, 128>}, {transform_indices = @transform_2, window_bounds = array<i64: 2000, 128>}]} {
    %get3A = arith.constant 0 : index
    %get3A_0 = arith.constant 0 : index
    %get3A_1 = vector.load %arg1[%get3A, %get3A_0] : memref<2000x128xf32, #tpu.memory_space<vmem>>, vector<2000x128xf32>
    %get3A_2 = arith.constant 0 : index
    %get3A_3 = arith.constant 0 : index
    %get3A_4 = vector.load %arg2[%get3A_2, %get3A_3] : memref<128x128xf32, #tpu.memory_space<vmem>>, vector<128x128xf32>
    %dot_general3A = arith.constant dense<0.000000e+00> : vector<2000x128xf32>
    %dot_general3A_5 = tpu.matmul %get3A_1, %get3A_4, %dot_general3A {dimension_numbers = #tpu.dot_dimension_numbers<[1], [1], [0], [0], [0, 0, 1, 0], [], []>, transpose_lhs_hint = false} : vector<2000x128xf32>, vector<128x128xf32>, vector<2000x128xf32> -> vector<2000x128xf32>
    %swap3A = arith.constant 0 : index
    %swap3A_6 = arith.constant 0 : index
    %swap3A_7 = vector.load %arg3[%swap3A, %swap3A_6] : memref<2000x128xf32, #tpu.memory_space<vmem>>, vector<2000x128xf32>
    tpu.vector_store %arg3[%swap3A, %swap3A_6], %dot_general3A_5 {strides = array<i32>} : memref<2000x128xf32, #tpu.memory_space<vmem>>, vector<2000x128xf32>,
    return
  }
  func.func @transform_0(%arg0: i32) -> (i32, i32) {
    %c0_i32 = arith.constant 0 : i32
    %c0_i32_0 = arith.constant 0 : i32
    return %arg0, %c0_i32 : i32, i32
  }
  func.func @transform_1(%arg0: i32) -> (i32, i32) {
    %c0_i32 = arith.constant 0 : i32
    %c0_i32_0 = arith.constant 0 : i32
    %c0_i32_1 = arith.constant 0 : i32
    return %c0_i32, %c0_i32_0 : i32, i32
  }
  func.func @transform_2(%arg0: i32) -> (i32, i32) {
    %c0_i32 = arith.constant 0 : i32
    %c0_i32_0 = arith.constant 0 : i32
    return %arg0, %c0_i32 : i32, i32
  }
}

module attributes {stable_mosaic.version = 14 : i64} {
  func.func @_tc_body(%arg0: i32, %arg1: memref<2000x64xf32, #tpu.memory_space<vmem>>, %arg2: memref<2000x64xf32, #tpu.memory_space<vmem>>, %arg3: memref<2000x2xf32, #tpu.memory_space<vmem>>, %arg4: memref<2000x128xf32, #tpu.memory_space<vmem>>, %arg5: memref<128x128xf32, #tpu.memory_space<vmem>>, %arg6: memref<2000x128xf32, #tpu.memory_space<vmem>>) attributes {dimension_semantics = [#tpu.dimension_semantics<arbitrary>], iteration_bounds = array<i64: 5>, scalar_prefetch = 0 : i64, scratch_operands = 0 : i64, tpu.core_type = #tpu.core_type<tc>, window_params = [{transform_indices = @transform_0, window_bounds = array<i64: 2000, 64>}, {transform_indices = @transform_1, window_bounds = array<i64: 2000, 64>}, {transform_indices = @transform_2, window_bounds = array<i64: 2000, 2>}, {transform_indices = @transform_3, window_bounds = array<i64: 2000, 128>}, {pipeline_mode = #tpu.pipeline_mode<synchronous>, transform_indices = @transform_4, window_bounds = array<i64: 128, 128>}, {transform_indices = @transform_5, window_bounds = array<i64: 2000, 128>}]} {
    %get3A = arith.constant 0 : index
    %get3A_0 = arith.constant 0 : index
    %get3A_1 = vector.load %arg1[%get3A, %get3A_0] : memref<2000x64xf32, #tpu.memory_space<vmem>>, vector<2000x64xf32>
    %get3A_2 = arith.constant 0 : index
    %get3A_3 = arith.constant 0 : index
    %get3A_4 = vector.load %arg2[%get3A_2, %get3A_3] : memref<2000x64xf32, #tpu.memory_space<vmem>>, vector<2000x64xf32>
    %concatenate3A = tpu.concatenate %get3A_1, %get3A_4 in 1 : vector<2000x64xf32>, vector<2000x64xf32> -> vector<2000x128xf32>
    %get3A_5 = arith.constant 0 : index
    %get3A_6 = arith.constant 0 : index
    %get3A_7 = vector.load %arg3[%get3A_5, %get3A_6] : memref<2000x2xf32, #tpu.memory_space<vmem>>, vector<2000x2xf32>
    %slice3A = vector.extract_strided_slice %get3A_7 {offsets = [0, 0], sizes = [2000, 1], strides = [1, 1]} : vector<2000x2xf32> to vector<2000x1xf32>
    %slice3A_8 = vector.extract_strided_slice %get3A_7 {offsets = [0, 1], sizes = [2000, 1], strides = [1, 1]} : vector<2000x2xf32> to vector<2000x1xf32>
    %add3A = arith.addf %slice3A, %slice3A_8 : vector<2000x1xf32>
    %max3A = arith.constant 1.000000e+00 : f32
    %max3A_9 = vector.broadcast %max3A : f32 to vector<2000x1xf32>
    %max3A_10 = arith.maximumf %add3A, %max3A_9 : vector<2000x1xf32>
    %div3A = vector.broadcast %max3A_10 : vector<2000x1xf32> to vector<2000x128xf32>
    %div3A_11 = arith.divf %concatenate3A, %div3A : vector<2000x128xf32>
    %get3A_12 = arith.constant 0 : index
    %get3A_13 = arith.constant 0 : index
    %get3A_14 = vector.load %arg4[%get3A_12, %get3A_13] : memref<2000x128xf32, #tpu.memory_space<vmem>>, vector<2000x128xf32>
    %get3A_15 = arith.constant 0 : index
    %get3A_16 = arith.constant 0 : index
    %get3A_17 = vector.load %arg5[%get3A_15, %get3A_16] : memref<128x128xf32, #tpu.memory_space<vmem>>, vector<128x128xf32>
    %dot_general3A = arith.constant dense<0.000000e+00> : vector<2000x128xf32>
    %dot_general3A_18 = tpu.matmul %div3A_11, %get3A_17, %dot_general3A {dimension_numbers = #tpu.dot_dimension_numbers<[1], [1], [0], [0], [0, 0, 1, 0], [], []>, transpose_lhs_hint = false} : vector<2000x128xf32>, vector<128x128xf32>, vector<2000x128xf32> -> vector<2000x128xf32>
    %add3A_19 = arith.addf %get3A_14, %dot_general3A_18 : vector<2000x128xf32>
    %swap3A = arith.constant 0 : index
    %swap3A_20 = arith.constant 0 : index
    %swap3A_21 = vector.load %arg6[%swap3A, %swap3A_20] : memref<2000x128xf32, #tpu.memory_space<vmem>>, vector<2000x128xf32>
    tpu.vector_store %arg6[%swap3A, %swap3A_20], %add3A_19 {strides = array<i32>} : memref<2000x128xf32, #tpu.memory_space<vmem>>, vector<2000x128xf32>,
    return
  }
  func.func @transform_0(%arg0: i32) -> (i32, i32) {
    %c0_i32 = arith.constant 0 : i32
    %c0_i32_0 = arith.constant 0 : i32
    return %arg0, %c0_i32 : i32, i32
  }
  func.func @transform_1(%arg0: i32) -> (i32, i32) {
    %c0_i32 = arith.constant 0 : i32
    %c0_i32_0 = arith.constant 0 : i32
    return %arg0, %c0_i32 : i32, i32
  }
  func.func @transform_2(%arg0: i32) -> (i32, i32) {
    %c0_i32 = arith.constant 0 : i32
    %c0_i32_0 = arith.constant 0 : i32
    return %arg0, %c0_i32 : i32, i32
  }
  func.func @transform_3(%arg0: i32) -> (i32, i32) {
    %c0_i32 = arith.constant 0 : i32
    %c0_i32_0 = arith.constant 0 : i32
    return %arg0, %c0_i32 : i32, i32
  }
  func.func @transform_4(%arg0: i32) -> (i32, i32) {
    %c0_i32 = arith.constant 0 : i32
    %c0_i32_0 = arith.constant 0 : i32
    %c0_i32_1 = arith.constant 0 : i32
    return %c0_i32, %c0_i32_0 : i32, i32
  }
  func.func @transform_5(%arg0: i32) -> (i32, i32) {
    %c0_i32 = arith.constant 0 : i32
    %c0_i32_0 = arith.constant 0 : i32
    return %arg0, %c0_i32 : i32, i32
  }
}

</mosaic_0001>

<sc_bundles>
// kernel: kernel.5.cloned.1.call-start
scs
__scs_entry_jumppad:
0x0: {  	(pc) =	sbr.rel $0x88, $3  }
0x1: {  	(tag) =	ssettag $0x0;
	lr =	simm.s32 $0x1  }
0x2: {  	[smem:$0x3F9D] =	sst lr;
	_ =	strace $0xD0000000  }
0x3: {  	_ = 	snop  }
0x4: {  	_ = 	snop  }
0x5: {  	_ = 	snop  }
0x6: {  	_ = 	snop  }
0x7: {  	_ = 	snop  }
__scs_overlays_trampoline_lowered:
0x8: {  	[smem:$0x3FAC] =	sst s0  }
0x9: {  	[smem:$0x3FAD] =	sst s1  }
0xa: {  	[smem:$0x3FAE] =	sst s2  }
0xb: {  	[smem:$0x3FAF] =	sst s3  }
0xc: {  	[smem:$0x3FB0] =	sst s4  }
0xd: {  	[smem:$0x3FB1] =	sst s5  }
0xe: {  	[smem:$0x3FB2] =	sst s6  }
0xf: {  	[smem:$0x3FB3] =	sst s7  }
0x10: {  	[smem:$0x3FB4] =	sst s8  }
0x11: {  	[smem:$0x3FB5] =	sst s9;
	s0 =	simm.s32 @!p0 $0x0  }
0x12: {  	s1 =	sld [smem:$0x3F9B];
	s0 =	simm.s32 @p0 $0x1  }
0x13: {  	[smem:$0x3FB6] =	sst s0;
	s0 =	simm.s32 @!p1 $0x0  }
0x14: {  	s2 =	sld [smem:$0x3F9A];
	s0 =	simm.s32 @p1 $0x1  }
0x15: {  	[smem:$0x3FB7] =	sst s0;
	s0 =	simm.s32 @!p2 $0x0  }
0x16: {  	s3 =	sld [smem:$0x3FDB];
	s0 =	simm.s32 @p2 $0x1  }
0x17: {  	s4 =	simm.s32 $0x1BF5;
	[smem:$0x3FB9] =	sst s0  }
0x18: {  	s0 =	sld [smem:$0x3F9C];
	_ =	swait.ge [sflag:s4], $0x0  }
0x19: {  	s7 =	sld [smem:$0x3F9D]  }
0x1a: {  	s8 =	sadd.s32 $0xFFFFE003, lr  }
0x1b: {  	s9 =	sadd.s32 $0xFFFFFEF7, lr;
	s5 =	simm.s32 $0xFFFFFFFF;
	p2 =	slt.u32 s8, $0xFFFFF086  }
0x1c: {  	p1 =	slt.u32 s9, $0xF7A;
	s5 =	simm.s32 @!p2 $0x0  }
0x1d: {  	s5 =	simm.s32 @p1 $0x1;
	p0 =	seq.s32 s7, s2  }
0x1e: {  	s7 =	smul.u32 @!p0 $0xF7A, s2;
	p2 =	seq.s32 @!p0 s5, $0x0  }
0x1f: {  	s9 =	smul.u32 $0xF7A, s1;
	s8 =	simm.s32 @!p0 $0x1BF5;
	p2 =	por !p2, p0  }
0x20: {  	[sflag:s8] =	ssyncset.s32 @!p0 $0xFFFFF086;
	s6 =	sadd.s32 @!p0 s3, s7;
	s7 =	simm.s32 @!p0 $0x108  }
0x21: {  	s3 =	sadd.s32 s3, s9;
	s6 =	sadd.s32 @!p0 $0x88, s6;
	s7 =	simm.s32 @p2 $0x1082  }
0x22: {  	[simem:s7], [sflag:s8] =	dma.local @!p0 [hbm:s6], $0xF7A  }
0x23: {  	s9 =	sor.u32 $0xD0000000, s2;
	s6 =	simm.s32 $0x108;
	_ =	swait.ge @!p0 [sflag:s8], $0x0  }
0x24: {  	s3 =	sadd.s32 $0x88, s3;
	s6 =	simm.s32 @!p1 $0x1082;
	[sflag:s4] =	ssyncset.s32 $0xFFFFF086  }
0x25: {  	[simem:s6], [sflag:s4] =	dma.local [hbm:s3], $0xF7A  }
0x26: {  	[smem:$0x3F9D] =	sst s1;
	(tag) =	ssettag s2;
	_ =	strace s9  }
0x27: {  	s1 =	sld [smem:$0x3FAD]  }
0x28: {  	s2 =	sld [smem:$0x3FAE]  }
0x29: {  	s4 =	sld [smem:$0x3FB0]  }
0x2a: {  	p0 =	seq.s32 s5, $0x0;
	s5 =	sld [smem:$0x3FB1]  }
0x2b: {  	s6 =	sld [smem:$0x3FB2]  }
0x2c: {  	s7 =	sld [smem:$0x3FB3]  }
0x2d: {  	s3 =	simm.s32 $0x108;
	s8 =	sld [smem:$0x3FB4]  }
0x2e: {  	s3 =	simm.s32 @!p0 $0x1082;
	s9 =	sld [smem:$0x3FB5]  }
0x2f: {  	lr =	sadd.s32 s0, s3;
	s0 =	sld [smem:$0x3FAC]  }
0x30: {  	s3 =	sld [smem:$0x3FAF]  }
0x31: {  	[smem:$0x3FB8] =	sst s10  }
0x32: {  	s10 =	sld [smem:$0x3FB6];
	_ =	sdelay $0x3  }
0x33: {  	p0 =	seq.s32 s10, $0x1;
	s10 =	sld [smem:$0x3FB8];
	_ =	sdelay $0x3  }
0x34: {  	[smem:$0x3FB8] =	sst s10  }
0x35: {  	s10 =	sld [smem:$0x3FB7];
	_ =	sdelay $0x3  }
0x36: {  	p1 =	seq.s32 s10, $0x1;
	s10 =	sld [smem:$0x3FB8];
	_ =	sdelay $0x3  }
0x37: {  	[smem:$0x3FB8] =	sst s10  }
0x38: {  	s10 =	sld [smem:$0x3FB9]  }
0x39: {  	_ = 	snop;
	(pc) =	sbr.ind lr, $3  }
0x3a: {  	_ = 	snop  }
0x3b: {  	_ = 	snop  }
0x3c: {  	p2 =	seq.s32 s10, $0x1;
	s10 =	sld [smem:$0x3FB8]  }
0x3d: {  	_ =	shalt  }
0x3e: {  	_ =	shalt  }
0x3f: {  	_ =	shalt  }
0x40: {  	_ =	shalt  }
0x41: {  	_ =	shalt  }
0x42: {  	_ =	shalt  }
0x43: {  	_ =	shalt  }
0x44: {  	_ =	shalt  }
0x45: {  	_ =	shalt  }
0x46: {  	_ =	shalt  }
0x47: {  	_ =	shalt  }
0x48: {  	_ =	shalt  }
0x49: {  	_ =	shalt  }
0x4a: {  	_ =	shalt  }
0x4b: {  	_ =	shalt  }
0x4c: {  	_ =	shalt  }
0x4d: {  	_ =	shalt  }
0x4e: {  	_ =	shalt  }
0x4f: {  	_ =	shalt  }
0x50: {  	_ =	shalt  }
0x51: {  	_ =	shalt  }
0x52: {  	_ =	shalt  }
0x53: {  	_ =	shalt  }
0x54: {  	_ =	shalt  }
0x55: {  	_ =	shalt  }
0x56: {  	_ =	shalt  }
0x57: {  	_ =	shalt  }
0x58: {  	_ =	shalt  }
0x59: {  	_ =	shalt  }
0x5a: {  	_ =	shalt  }
0x5b: {  	_ =	shalt  }
0x5c: {  	_ =	shalt  }
0x5d: {  	_ =	shalt  }
0x5e: {  	_ =	shalt  }
0x5f: {  	_ =	shalt  }
0x60: {  	_ =	shalt  }
0x61: {  	_ =	shalt  }
0x62: {  	_ =	shalt  }
0x63: {  	_ =	shalt  }
0x64: {  	_ =	shalt  }
0x65: {  	_ =	shalt  }
0x66: {  	_ =	shalt  }
0x67: {  	_ =	shalt  }
0x68: {  	_ =	shalt  }
0x69: {  	_ =	shalt  }
0x6a: {  	_ =	shalt  }
0x6b: {  	_ =	shalt  }
0x6c: {  	_ =	shalt  }
0x6d: {  	_ =	shalt  }
0x6e: {  	_ =	shalt  }
0x6f: {  	_ =	shalt  }
0x70: {  	_ =	shalt  }
0x71: {  	_ =	shalt  }
0x72: {  	_ =	shalt  }
0x73: {  	_ =	shalt  }
0x74: {  	_ =	shalt  }
0x75: {  	_ =	shalt  }
0x76: {  	_ =	shalt  }
0x77: {  	_ =	shalt  }
0x78: {  	_ =	shalt  }
0x79: {  	_ =	shalt  }
0x7a: {  	_ =	shalt  }
0x7b: {  	_ =	shalt  }
0x7c: {  	_ =	shalt  }
0x7d: {  	_ =	shalt  }
0x7e: {  	_ =	shalt  }
0x7f: {  	_ =	shalt  }
0x80: {  	_ =	shalt  }
0x81: {  	_ =	shalt  }
0x82: {  	_ =	shalt  }
0x83: {  	_ =	shalt  }
0x84: {  	_ =	shalt  }
0x85: {  	_ =	shalt  }
0x86: {  	_ =	shalt  }
0x87: {  	_ =	shalt  }
.Lfunc_end0:
.L_simem_size_0:
called_computation_lowered:
.L_overlay_start_0:
0x88: {  	s2 =	sld [smem:$0x3FD9]  }
0x89: {  	s3 =	sld [smem:$0x3FFE];
	_ =	sdelay $0x1  }
0x8a: {  	s1 =	srdreg.scid  }
0x8b: {  	s0 =	sand.u32 $0x1, s1  }
0x8c: {  	s17 =	sshll.u32 s0, $0xA;
	s2 =	sadd.s32 s3, s2  }
0x8d: {  	s2 =	sadd.s32 s2, s17  }
0x8e: {  	[smem:$0x3FC4] =	sst s2  }
0x8f: {  	_ = 	snop  }
0x90: {  	s2 =	sld [smem:$0x3FC9]  }
0x91: {  	s18 =	sld [smem:$0x3FD0];
	(tm) =	ssettm $0x1  }
0x92: {  	s4 =	sld [smem:$0x3FFB];
	_ =	sdelay $0x3  }
0x93: {  	_ =	strace s4  }
0x94: {  	s4 =	sld [smem:$0x3FFC];
	_ =	sdelay $0x3  }
0x95: {  	_ =	strace s4  }
0x96: {  	s4 =	sld [smem:$0x3FFD];
	_ =	sdelay $0x3  }
0x97: {  	_ =	strace s4  }
0x98: {  	_ =	strace $0x8FFFFFFF  }
0x99: {  	s19 =	sld [smem:$0x3FDB];
	_ =	sdelay $0x1  }
0x9a: {  	s5 =	simm.s32 $_scs_section_size  }
0x9b: {  	s6 =	simm.s32 $_size__tile_overlayer_lowered;
	s7 =	simm.s32 $_tile_overlayer_lowered  }
0x9c: {  	s22 =	simm.s32 $0x1BFF;
	s21 =	sshll.u32 s7, $0x1;
	s4 =	sadd.s32 s5, s19  }
0x9d: {  	s8 =	simm.s32 $0x0;
	s20 =	sshll.u32 s6, $0x1;
	s6 =	sadd.s32 s21, s4  }
0x9e: {  	[timem:s8], [sflag:s22] =	dma.local [hbm:s6], s20  }
0x9f: {  	_ =	swait.ge [sflag:s22], s20  }
0xa0: {  	s5 =	ssub.s32 $0x0, s20;
	[sflag:s22] =	ssyncset.done $0x0  }
0xa1: {  	[sflag:s22] =	ssyncadd.s32 s5;
	_ =	sdelay $0x1  }
0xa2: {  	s23 =	simm.s32 $0x1B8B  }
0xa3: {  	_ =	swait.ge [sflag:s23], $0x1  }
0xa4: {  	[sflag:s23] =	ssyncset.done $0x0  }
0xa5: {  	s25 =	simm.s32 $0x1B8E;
	s24 =	sld [smem:$0x3FFE];
	[sflag:s23] =	ssyncadd.s32 $0xFFFFFFFF  }
0xa6: {  	s26 =	simm.s32 $execute0_lowered;
	[smem:$0x3FD2] =	sst s25  }
0xa7: {  	s6 =	sshll.u32 s26, $0x1;
	_ =	strace $0x80000046;
	[dreg:$0x1] =	wrdreg $0xFFFFFFFF  }
0xa8: {  	s28 =	simm.s32 $_size_execute0_lowered;
	s4 =	sadd.s32 s4, s6;
	[dreg:$0x0] =	wrdreg $0x0  }
0xa9: {  	s6 =	sshll.u32 s28, $0x1;
	[dreg:$0x2] =	wrdreg s4  }
0xaa: {  	[dreg:$0x3] =	wrdreg s6  }
0xab: {  	[dreg:$0x4] =	wrdreg $0xC0  }
0xac: {  	_ =	task [dreg:s8], $0x5FFFF  }
0xad: {  	[dreg:$0x1] =	wrdreg $0xFFFFFFFF  }
0xae: {  	[dreg:$0x0] =	wrdreg $0x60  }
0xaf: {  	[dreg:$0x2] =	wrdreg s2  }
0xb0: {  	[dreg:$0x3] =	wrdreg s18  }
0xb1: {  	[dreg:$0x4] =	wrdreg s24  }
0xb2: {  	[dreg:$0x5] =	wrdreg $0x140800  }
0xb3: {  	[dreg:$0x6] =	wrdreg $0x1E0800  }
0xb4: {  	[dreg:$0x7] =	wrdreg $0x9  }
0xb5: {  	_ =	task.clear_ibuf [dreg:s8], $0x8FFFF;
	_ =	strace $0x90000046  }
0xb6: {  	s29 =	simm.s32 $0x9;
	_ =	strace $0x80000048  }
0xb7: {  	_ =	swait.ge [sflag:s29], $0x1  }
0xb8: {  	[sflag:s29] =	ssyncadd.s32 $0xFFFFFFFF  }
0xb9: {  	_ =	strace $0x90000048  }
0xba: {  	_ =	sfence  }
0xbb: {  	s30 =	sld [smem:$0x0];
	_ =	sdelay $0x2  }
0xbc: {  	s31 =	sshll.u32 s1, $0xD;
	s1 =	sshrl.u32 s1, $0x2  }
0xbd: {  	s3 =	sand.u32 $0x4000, s31;
	s1 =	sadd.s32 s1, s30  }
0xbe: {  	s0 =	sor.u32 s3, s0;
	s1 =	sshll.u32 s1, $0x11  }
0xbf: {  	s0 =	sor.u32 s1, s0  }
0xc0: {  	s0 =	sadd.s32 $0x8F2B, s0  }
0xc1: {  	[sflag:s0] =	ssyncadd.remote.s32 $0x1  }
0xc2: {  	_ =	sfence.sel $0xFFFF  }
0xc3: {  	[dreg:$0x0] =	wrdreg $0xFFFFFFFF;
	(pc) =	sbr.abs _section_cstart, $3  }
0xc4: {  	[dreg:$0x1] =	wrdreg $0xFFFFFFFF  }
0xc5: {  	_ =	task.clear_ibuf [dreg:s8], $0x2FFFF;
	_ =	strace $0x9FFFFFFF  }
0xc6: {  	(tm) =	ssettm $0x7FFFFFFF  }
0xc7: {  	_ =	shalt  }
tec
execute0_lowered:
.L_overlay_start_1:
0x0: {  	(tag) =	ssettag $0x1  }
0x1: {  	s1 =	rddreg [dreg:$0x0]  }
0x2: {  	s0 =	rddreg [dreg:$0x1]  }
0x3: {  	s2 =	rddreg [dreg:$0x2]  }
0x4: {  	s3 =	rddreg [dreg:$0x3]  }
0x5: {  	s4 =	rddreg [dreg:$0x4];
	s5 =	stileid.u32  }
0x6: {  	s7 =	simm.s32 $0x0;
	s9 =	srdreg.scid;
	s28 =	simm.s32 $0x12000  }
0x7: {  	s29 =	simm.s32 $0x1;
	s30 =	simm.s32 $0x2;
	s6 =	smul.u32 $0xA00, s5  }
0x8: {  	s31 =	simm.s32 $0x3;
	[smem:$0x7FF] =	sst s7;
	s25 =	smul.u32 $0xA000, s5  }
0x9: {  	s8 =	smul.u32 $0x280, s5;
	s15 =	sadd.s32 $0x33A00, s2;
	s17 =	sadd.s32 $0x1FA00, s2  }
0xa: {  	s18 =	sadd.s32 $0x47A00, s2;
	_ =	strace $0x80000047;
	s10 =	sadd.s32 s6, s2  }
0xb: {  	s6 =	sand.u32 $0x1, s9;
	s26 =	sshrl.u32 s25, $0x3;
	s13 =	sshrl.u32 s8, $0x3  }
0xc: {  	s21 =	sadd.s32 s8, s4;
	s11 =	sshll.u32 s6, $0x4;
	s12 =	sadd.s32 s26, s2  }
0xd: {  	s14 =	sadd.s32 s13, s2;
	s16 =	ssub.s32 $0x2, s6;
	s2 =	sadd.s32 $0x48000, s2  }
0xe: {  	p0 =	seq.s32 s6, $0x1;
	s11 =	sor.u32 s5, s11;
	s19 =	sshrl.u32 s16, $0x1  }
0xf: {  	s20 =	sadd.s32 $0xBA00, s12;
	s22 =	sadd.s32 $0xB400, s14;
	s15 =	smov.u32 @p0 s17  }
0x10: {  	s18 =	smov.u32 @p0 s2;
	s14 =	simm.s32 $0x7;
	s2 =	simm.s32 $0x5  }
0x11: {  	s11 =	smul.u32 $0xA00, s11;
	s16 =	ssub.s32 s16, s19;
	[dreg:$0x8] =	wrdreg s20  }
0x12: {  	s19 =	sadd.s32 s25, s3;
	[dreg:$0x9] =	wrdreg s22;
	s24 =	sadd.s32 s15, s26  }
0x13: {  	s25 =	sadd.s32 s18, s13;
	s26 =	sshll.u32 s5, $0x6;
	s18 =	sshrl.u32 s21, $0x3  }
0x14: {  	s20 =	simm.s32 $0xA000;
	s21 =	simm.s32 $0xC000;
	s22 =	simm.s32 $0x0  }
.Ltmp0:
0x15: {  	s23 =	smax.u32 s16, $0x1;
	[dreg:$0xb] =	wrdreg s24;
	(pc) =	sbr.rel .LBB2_1-.Ltmp0, $4  }
0x16: {  	[dreg:$0xc] =	wrdreg s25;
	s16 =	sor.u32 $0x1C07, s26;
	s17 =	sshrl.u32 s19, $0x3  }
0x17: {  	s19 =	simm.s32 $0x80;
	s0 =	sadd.s32 s0, s11;
	[dreg:$0xa] =	wrdreg s23  }
0x18: {  	s25 =	simm.s32 $0x10000;
	s11 =	sadd.s32 $0x1400, s10;
	[dreg:$0x6] =	wrdreg s0  }
0x19: {  	v0 =	vimm.f32 $1.000000000e+00;
	s23 =	simm.s32 $0xE000;
	[dreg:$0x7] =	wrdreg s11;
	s0 =	simm.s32 $0x4  }
.LBB2_4:
0x1a: {  	s5 =	simm.s32 $0x6  }
0x1b: {  	_ =	swait.ge [sflag:s5], $0x2800  }
0x1c: {  	[sflag:s5] =	ssyncset.done $0x0  }
0x1d: {  	[sflag:s5] =	ssyncadd.s32 $0xFFFFD800  }
0x1e: {  	[bflag:$0x0] =	sbarrier.arrive $0xFFFF  }
0x1f: {  	s15 =	rddreg [dreg:$0xb]  }
0x20: {  	[hbm:s15], [sflag:s16] =	dma.local [spmem:s17], $0x1400  }
0x21: {  	_ =	swait.ge [sflag:s14], $0x1400  }
0x22: {  	[sflag:s14] =	ssyncset.done $0x0  }
0x23: {  	s24 =	rddreg [dreg:$0xc];
	[sflag:s14] =	ssyncadd.s32 $0xFFFFEC00  }
0x24: {  	[hbm:s24], [sflag:s16] =	dma.local [spmem:s18], $0x50  }
0x25: {  	_ =	swait.ge [sflag:s14], $0x50  }
0x26: {  	s22 =	sadd.s32 $0x1, s22;
	s26 =	rddreg [dreg:$0xa]  }
0x27: {  	p0 =	sne.s32 s22, s26  }
.Ltmp1:
0x28: {  	_ = 	snop;
	(pc) =	sbr.rel @!p0 .LBB2_5-.Ltmp1, $3  }
0x29: {  	_ =	sdelay $0x1  }
0x2a: {  	[sflag:s14] =	ssyncset.done $0x0  }
0x2b: {  	[sflag:s14] =	ssyncadd.s32 $0xFFFFFFB0  }
.LBB2_1:
0x2c: {  	s5 =	simm.s32 $0x0;
	s7 =	rddreg [dreg:$0x6]  }
0x2d: {  	[tilespmem:s5], [sflag:$0x7] =	stream.linear.gather [hbm4b:s7+s5], $0x5000, $0x38;
	[tilespmem:$0x1E300] =	vst v63  }
0x2e: {  	_ =	swait.ge [sflag:s14], $0x5000  }
0x2f: {  	[sflag:s14] =	ssyncset.done $0x0  }
0x30: {  	s8 =	simm.s32 $0x5000;
	s11 =	rddreg [dreg:$0x7];
	[sflag:s14] =	ssyncadd.s32 $0xFFFFB000  }
0x31: {  	[tilespmem:s8], [sflag:$0x7] =	stream.linear.gather [hbm4b:s11+s5], $0x5000, $0x38;
	[tilespmem:$0x1E300] =	vst v63  }
0x32: {  	_ =	swait.ge [sflag:s14], $0x5000  }
0x33: {  	[sflag:s14] =	ssyncset.done $0x0  }
0x34: {  	s12 =	rddreg [dreg:$0x8];
	[sflag:s14] =	ssyncadd.s32 $0xFFFFB000  }
0x35: {  	[spmem:s17], [sflag:s16] =	dma.local [hbm:s12], $0x1400  }
0x36: {  	_ =	swait.ge [sflag:s14], $0x1400  }
0x37: {  	[sflag:s14] =	ssyncset.done $0x0  }
0x38: {  	s13 =	rddreg [dreg:$0x9];
	[sflag:s14] =	ssyncadd.s32 $0xFFFFEC00  }
0x39: {  	[spmem:s18], [sflag:s16] =	dma.local [hbm:s13], $0x50  }
0x3a: {  	_ =	swait.ge [sflag:s14], $0x50  }
0x3b: {  	[sflag:s14] =	ssyncset.done $0x0  }
0x3c: {  	[sflag:s14] =	ssyncadd.s32 $0xFFFFFFB0  }
0x3d: {  	[tilespmem:$0x14000] =	vst v0  }
0x3e: {  	[tilespmem:$0x14010] =	vst v0  }
0x3f: {  	[tilespmem:$0x14020] =	vst v0  }
0x40: {  	[tilespmem:$0x14030] =	vst v0  }
0x41: {  	[tilespmem:$0x14040] =	vst v0  }
0x42: {  	[tilespmem:$0x14050] =	vst v0  }
0x43: {  	[tilespmem:$0x14060] =	vst v0  }
0x44: {  	[tilespmem:$0x14070] =	vst v0  }
0x45: {  	[bflag:$0x0] =	sbarrier.arrive $0xFFFF  }
0x46: {  	[tilespmem:s20], [sflag:$0x1] =	stream.indirect.gather [hbm4b:s1+s19], $0x40, s5, s19, $0xb8;
	[tilespmem:$0x1E300] =	vst v63  }
0x47: {  	_ = 	snop  }
0x48: {  	[tilespmem:s21], [sflag:$0x2] =	stream.indirect.gather [hbm4b:s1+s19], $0x40, s19, s19, $0xb8;
	[tilespmem:$0x1E300] =	vst v63  }
0x49: {  	s15 =	simm.s32 $0x100  }
0x4a: {  	[tilespmem:s23], [sflag:$0x3] =	stream.indirect.gather [hbm4b:s1+s19], $0x40, s15, s19, $0xb8;
	[tilespmem:$0x1E300] =	vst v63  }
0x4b: {  	s24 =	simm.s32 $0x180  }
0x4c: {  	[tilespmem:s25], [sflag:$0x4] =	stream.indirect.gather [hbm4b:s1+s19], $0x40, s24, s19, $0xb8;
	[tilespmem:$0x1E300] =	vst v63  }
0x4d: {  	s26 =	simm.s32 $0x200  }
0x4e: {  	[tilespmem:s28], [sflag:$0x5] =	stream.indirect.gather [hbm4b:s1+s19], $0x40, s26, s19, $0xb8;
	[tilespmem:$0x1E300] =	vst v63  }
0x4f: {  	s24 =	simm.s32 $0x0;
	s26 =	simm.s32 $0x0  }
.LBB2_2:
0x50: {  	_ =	swait.ge [sflag:s29], $0x2000;
	s7 =	sand.u32 $0x1, s24  }
0x51: {  	[sflag:s29] =	ssyncset.done $0x0;
	p0 =	sne.s32 s6, s7  }
0x52: {  	[sflag:s29] =	ssyncadd.s32 $0xFFFFE000;
	s8 =	sshra.s32 @!p0 s26, $0x2  }
0x53: {  	s9 =	simm.s32 @!p0 $0x80;
	s10 =	simm.s32 @!p0 $0x14000;
	s7 =	sadd.s32 @!p0 $0x5000, s8  }
0x54: {  	[spmem:s4] =	stream.indirect.scatter.add.f32 @!p0 [tilespmem:s10], [sflag:$0x6], $0x1, s7, s9, $0xb8;
	[tilespmem:$0x1E300] =	vst v63  }
0x55: {  	s7 =	sshra.s32 s26, $0x2  }
0x56: {  	s11 =	sadd.s32 $0x5000, s7  }
0x57: {  	[spmem:s3] =	stream.indirect.scatter.add.f32 [tilespmem:s20], [sflag:$0x7], $0x40, s11, s19, $0xb8;
	[tilespmem:$0x1E300] =	vst v63  }
0x58: {  	p1 =	seq.s32 s26, $0x13600;
	_ =	swait.ge [sflag:s14], $0x2000  }
0x59: {  	s13 =	simm.s32 @!p1 $0x80;
	s11 =	sshra.s32 @!p1 s26, $0x2;
	[sflag:s14] =	ssyncset.done $0x0  }
0x5a: {  	s5 =	simm.s32 @!p1 $0xA000;
	s12 =	sadd.s32 @!p1 $0x280, s11;
	[sflag:s14] =	ssyncadd.s32 $0xFFFFE000  }
0x5b: {  	[tilespmem:s5], [sflag:$0x1] =	stream.indirect.gather @!p1 [hbm4b:s1+s13], $0x40, s12, s13, $0xb8;
	[tilespmem:$0x1E300] =	vst v63  }
0x5c: {  	s12 =	sxor.u32 $0xFFFFFFFF, s24  }
0x5d: {  	_ =	swait.ge [sflag:s30], $0x2000;
	s5 =	sand.u32 $0x1, s12  }
0x5e: {  	[sflag:s30] =	ssyncset.done $0x0;
	p2 =	sne.s32 s6, s5  }
0x5f: {  	[sflag:s30] =	ssyncadd.s32 $0xFFFFE000;
	s5 =	sshra.s32 @!p2 s26, $0x2  }
0x60: {  	s12 =	simm.s32 @!p2 $0x80;
	s15 =	simm.s32 @!p2 $0x14000;
	s5 =	sadd.s32 @!p2 $0x5080, s5  }
0x61: {  	[spmem:s4] =	stream.indirect.scatter.add.f32 @!p2 [tilespmem:s15], [sflag:$0x6], $0x1, s5, s12, $0xb8;
	[tilespmem:$0x1E300] =	vst v63  }
0x62: {  	s15 =	sadd.s32 $0x5080, s7  }
0x63: {  	[spmem:s3] =	stream.indirect.scatter.add.f32 [tilespmem:s21], [sflag:$0x7], $0x40, s15, s19, $0xb8;
	[tilespmem:$0x1E300] =	vst v63  }
0x64: {  	_ =	swait.ge [sflag:s14], $0x2000  }
0x65: {  	[sflag:s14] =	ssyncset.done $0x0  }
0x66: {  	s5 =	sadd.s32 @!p1 $0x300, s11;
	s12 =	simm.s32 @!p1 $0xC000;
	[sflag:s14] =	ssyncadd.s32 $0xFFFFE000  }
0x67: {  	[tilespmem:s12], [sflag:$0x2] =	stream.indirect.gather @!p1 [hbm4b:s1+s13], $0x40, s5, s13, $0xb8;
	[tilespmem:$0x1E300] =	vst v63  }
0x68: {  	_ =	swait.ge [sflag:s31], $0x2000  }
0x69: {  	[sflag:s31] =	ssyncset.done $0x0  }
0x6a: {  	s5 =	sadd.s32 @!p0 $0x5100, s8;
	[sflag:s31] =	ssyncadd.s32 $0xFFFFE000  }
0x6b: {  	[spmem:s4] =	stream.indirect.scatter.add.f32 @!p0 [tilespmem:s10], [sflag:$0x6], $0x1, s5, s9, $0xb8;
	[tilespmem:$0x1E300] =	vst v63  }
0x6c: {  	s12 =	sadd.s32 $0x5100, s7  }
0x6d: {  	[spmem:s3] =	stream.indirect.scatter.add.f32 [tilespmem:s23], [sflag:$0x7], $0x40, s12, s19, $0xb8;
	[tilespmem:$0x1E300] =	vst v63  }
0x6e: {  	_ =	swait.ge [sflag:s14], $0x2000  }
0x6f: {  	s15 =	sadd.s32 $0xFFFFFFFF, s24;
	[sflag:s14] =	ssyncset.done $0x0  }
0x70: {  	s5 =	sadd.s32 @!p1 $0x380, s11;
	s12 =	simm.s32 @!p1 $0xE000;
	[sflag:s14] =	ssyncadd.s32 $0xFFFFE000  }
0x71: {  	[tilespmem:s12], [sflag:$0x3] =	stream.indirect.gather @!p1 [hbm4b:s1+s13], $0x40, s5, s13, $0xb8;
	[tilespmem:$0x1E300] =	vst v63  }
0x72: {  	s5 =	sand.u32 $0x1, s15  }
0x73: {  	_ =	swait.ge [sflag:s0], $0x2000;
	p2 =	sne.s32 s6, s5  }
0x74: {  	[sflag:s0] =	ssyncset.done $0x0;
	s5 =	sshra.s32 @!p2 s26, $0x2;
	s12 =	simm.s32 @!p2 $0x80  }
0x75: {  	s15 =	simm.s32 @!p2 $0x14000;
	[sflag:s0] =	ssyncadd.s32 $0xFFFFE000;
	s5 =	sadd.s32 @!p2 $0x5180, s5  }
0x76: {  	[spmem:s4] =	stream.indirect.scatter.add.f32 @!p2 [tilespmem:s15], [sflag:$0x6], $0x1, s5, s12, $0xb8;
	[tilespmem:$0x1E300] =	vst v63  }
0x77: {  	s12 =	sadd.s32 $0x5180, s7  }
0x78: {  	[spmem:s3] =	stream.indirect.scatter.add.f32 [tilespmem:s25], [sflag:$0x7], $0x40, s12, s19, $0xb8;
	[tilespmem:$0x1E300] =	vst v63  }
0x79: {  	_ =	swait.ge [sflag:s14], $0x2000  }
0x7a: {  	[sflag:s14] =	ssyncset.done $0x0  }
0x7b: {  	s5 =	sadd.s32 @!p1 $0x400, s11;
	s11 =	simm.s32 @!p1 $0x10000;
	[sflag:s14] =	ssyncadd.s32 $0xFFFFE000  }
0x7c: {  	[tilespmem:s11], [sflag:$0x4] =	stream.indirect.gather @!p1 [hbm4b:s1+s13], $0x40, s5, s13, $0xb8;
	[tilespmem:$0x1E300] =	vst v63  }
0x7d: {  	_ =	swait.ge [sflag:s2], $0x2000  }
0x7e: {  	[sflag:s2] =	ssyncset.done $0x0  }
0x7f: {  	s5 =	sadd.s32 @!p0 $0x5200, s8;
	[sflag:s2] =	ssyncadd.s32 $0xFFFFE000  }
0x80: {  	[spmem:s4] =	stream.indirect.scatter.add.f32 @!p0 [tilespmem:s10], [sflag:$0x6], $0x1, s5, s9, $0xb8;
	[tilespmem:$0x1E300] =	vst v63  }
.Ltmp2:
0x81: {  	s15 =	sadd.s32 $0x5200, s7;
	(pc) =	sbr.rel @p1 .LBB2_4-.Ltmp2, $4  }
0x82: {  	[spmem:s3] =	stream.indirect.scatter.add.f32 [tilespmem:s28], [sflag:$0x7], $0x40, s15, s19, $0xb8;
	[tilespmem:$0x1E300] =	vst v63  }
0x83: {  	_ =	swait.ge [sflag:s14], $0x2000  }
0x84: {  	[sflag:s14] =	ssyncset.done $0x0  }
0x85: {  	[sflag:s14] =	ssyncadd.s32 $0xFFFFE000  }
.Ltmp3:
0x86: {  	(pc) =	sbr.rel .LBB2_2-.Ltmp3, $3  }
0x87: {  	_ =	sdelay $0x1  }
0x88: {  	s5 =	sadd.s32 $0x480, s7;
	s26 =	sadd.s32 $0xA00, s26;
	s24 =	sadd.s32 $0x5, s24  }
0x89: {  	[tilespmem:s28], [sflag:$0x5] =	stream.indirect.gather [hbm4b:s1+s19], $0x40, s5, s19, $0xb8;
	[tilespmem:$0x1E300] =	vst v63  }
.LBB2_5:
0x8a: {  	_ =	sfence.sel $0x180000  }
0x8b: {  	[bflag:$0x0] =	sbarrier.arrive $0xFFFF  }
0x8c: {  	_ =	strace $0x90000047  }
0x8d: {  	s0 =	stileid.u32;
	[bflag:$0x2] =	sbarrier.arrive $0xFFFF  }
0x8e: {  	p0 =	sne.s32 s0, $0x0;
	s0 =	rddreg [dreg:$0x5]  }
0x8f: {  	s0 =	sadd.s32 @!p0 $0x100000, s0  }
0x90: {  	[sflag:s0] =	ssyncadd.tile.s32 @!p0 $0x1;
	_ =	shalt  }
.Lfunc_end2:
_tile_overlayer_lowered:
.L_overlay_start_2:
0x91: {  	(tag) =	ssettag $0x2  }
0x92: {  	s0 =	rddreg [dreg:$0x0];
	s2 =	stileid.u32  }
0x93: {  	s1 =	rddreg [dreg:$0x1];
	p0 =	sne.s32 s2, $0x0  }
0x94: {  	s3 =	rddreg [dreg:$0x2];
	[bflag:$0x3] =	sbarrier.arrive $0xFFFF;
	s2 =	simm.s32 @!p0 $0x1C07  }
0x95: {  	[timem:s3], [sflag:s2] =	dma.local @!p0 [hbm:s0], s1  }
0x96: {  	s0 =	simm.s32 @!p0 $0x7  }
0x97: {  	_ =	swait.ge @!p0 [sflag:s0], s1  }
0x98: {  	s1 =	ssub.s32 @!p0 $0x0, s1;
	[sflag:s0] =	ssyncset.done @!p0 $0x0  }
0x99: {  	[sflag:s0] =	ssyncadd.s32 @!p0 s1  }
0x9a: {  	[bflag:$0x3] =	sbarrier.arrive $0xFFFF  }
0x9b: {  	_ =	shalt  }

</sc_bundles>
